<compile_context>
chip_gen: v7x
topology: tpu7x:2x2x1
jax: 0.10.2.dev20260603
libtpu: 0.0.44.dev20260713+nightly
codegen_flags: <defaults>
</compile_context>

<pallas_src>
import functools

import jax
import jax.numpy as jnp
from jax import lax
from jax.experimental import pallas as pl
from jax.experimental.pallas import tpu as pltpu
from jax.experimental.pallas import tpu_sc as plsc

_N_EMBD = 768
_N_EXP = 64
_E_DIM = 192
_N_TOK = 8192
_TB = 512
_B = 128
_NB_MAX = _N_TOK // _B + _N_EXP
_PAD = _NB_MAX * _B

_NC = 2
_NS = 16
_NW = _NC * _NS
_CHUNK = _N_TOK // _NW
_NSUB = 4
_SUB = _CHUNK // _NSUB


def _router_body(x_ref, wr_ref, eid_ref, rank_ref, counts_ref, run_ref):
    i = pl.program_id(0)

    @pl.when(i == 0)
    def _():
        run_ref[...] = jnp.zeros_like(run_ref)

    xb = x_ref[...]
    logits = jnp.dot(xb, wr_ref[...], preferred_element_type=jnp.float32)
    m = jnp.max(logits, axis=1, keepdims=True)
    col = lax.broadcasted_iota(jnp.int32, logits.shape, 1)
    eid = jnp.min(jnp.where(logits == m, col, _N_EXP), axis=1)
    eid_ref[0, 0, :] = eid

    onehot = (col == eid[:, None]).astype(jnp.float32)
    r = lax.broadcasted_iota(jnp.int32, (_TB, _TB), 0)
    c = lax.broadcasted_iota(jnp.int32, (_TB, _TB), 1)
    tril = (r >= c).astype(jnp.float32)
    prefix = jnp.dot(tril, onehot, preferred_element_type=jnp.float32)
    rank_in_blk = jnp.sum(prefix * onehot, axis=1) - 1.0
    run = run_ref[...]
    rank = rank_in_blk + jnp.sum(run * onehot, axis=1)
    rank_ref[0, 0, :] = rank.astype(jnp.int32)
    run = run + jnp.sum(onehot, axis=0, keepdims=True)
    run_ref[...] = run
    counts_ref[...] = jnp.broadcast_to(run, (8, _N_EXP))


def _router(x, Wr):
    nb = _N_TOK // _TB
    return pl.pallas_call(
        _router_body,
        grid=(nb,),
        in_specs=[
            pl.BlockSpec((_TB, _N_EMBD), lambda i: (i, 0)),
            pl.BlockSpec((_N_EMBD, _N_EXP), lambda i: (0, 0)),
        ],
        out_specs=[
            pl.BlockSpec((1, 1, _TB), lambda i: (i // 2, 0, i % 2)),
            pl.BlockSpec((1, 1, _TB), lambda i: (i // 2, 0, i % 2)),
            pl.BlockSpec((8, _N_EXP), lambda i: (0, 0)),
        ],
        out_shape=[
            jax.ShapeDtypeStruct((_N_TOK // _DTB, 1, _DTB), jnp.int32),
            jax.ShapeDtypeStruct((_N_TOK // _DTB, 1, _DTB), jnp.int32),
            jax.ShapeDtypeStruct((8, _N_EXP), jnp.float32),
        ],
        scratch_shapes=[pltpu.VMEM((1, _N_EXP), jnp.float32)],
    )(x, Wr)


_DTB = 1024


def _dest_body(eid_ref, rank_ref, tsr_ref, cumt_ref, dest_ref, be_ref,
               act_ref, obi_ref):
    eid = eid_ref[0, 0, :]
    onehot = lax.broadcasted_iota(jnp.int32, (_DTB, _N_EXP), 1) == eid[:, None]
    tsr_b = tsr_ref[...][0:1, :]
    sel = jnp.sum(jnp.where(onehot, tsr_b, 0), axis=1)
    dest_ref[0, 0, :] = sel + rank_ref[0, 0, :]

    @pl.when(pl.program_id(0) == 0)
    def _():
        cumt = cumt_ref[...][0:1, :]
        b = lax.broadcasted_iota(jnp.int32, (_NB_MAX, _N_EXP), 0)
        be = jnp.sum((cumt <= b).astype(jnp.int32), axis=1)
        be_ref[0, 0, :] = jnp.minimum(be, _N_EXP - 1)
        total = jnp.max(cumt, axis=1)
        blk = lax.broadcasted_iota(jnp.int32, (_NB_MAX,), 0)
        act_ref[0, 0, :] = (blk < total).astype(jnp.int32)
        obi_ref[0, 0, :] = jnp.minimum(blk, total - 1)


def _dest_kernel(eid3, rank3, tsr8, cumt8):
    nb = _N_TOK // _DTB
    return pl.pallas_call(
        _dest_body,
        grid=(nb,),
        in_specs=[
            pl.BlockSpec((1, 1, _DTB), lambda i: (i, 0, 0)),
            pl.BlockSpec((1, 1, _DTB), lambda i: (i, 0, 0)),
            pl.BlockSpec((8, _N_EXP), lambda i: (0, 0)),
            pl.BlockSpec((8, _N_EXP), lambda i: (0, 0)),
        ],
        out_specs=[
            pl.BlockSpec((1, 1, _DTB), lambda i: (i, 0, 0)),
            pl.BlockSpec((1, 1, _NB_MAX), lambda i: (0, 0, 0)),
            pl.BlockSpec((1, 1, _NB_MAX), lambda i: (0, 0, 0)),
            pl.BlockSpec((1, 1, _NB_MAX), lambda i: (0, 0, 0)),
        ],
        out_shape=[
            jax.ShapeDtypeStruct((nb, 1, _DTB), jnp.int32),
            jax.ShapeDtypeStruct((1, 1, _NB_MAX), jnp.int32),
            jax.ShapeDtypeStruct((1, 1, _NB_MAX), jnp.int32),
            jax.ShapeDtypeStruct((1, 1, _NB_MAX), jnp.int32),
        ],
    )(eid3, rank3, tsr8, cumt8)


@functools.cache
def _make_sc_kernels():
    sc_mesh = plsc.VectorSubcoreMesh(
        core_axis_name="c", subcore_axis_name="s",
        num_cores=_NC, num_subcores=_NS)

    @functools.partial(
        pl.kernel,
        out_type=jax.ShapeDtypeStruct((_PAD, _N_EMBD), jnp.float32),
        mesh=sc_mesh,
        scratch_types=[
            pltpu.VMEM((_NSUB, _SUB), jnp.int32),
            pltpu.VMEM((2, _SUB, _N_EMBD), jnp.float32),
            pltpu.SemaphoreType.DMA,
            pltpu.SemaphoreType.DMA,
        ],
    )
    def sc_dispatch(x_hbm, dest_hbm, xs_pad_hbm, dest_v, rows_v, ldsem, sem):
        wid = lax.axis_index("s") * _NC + lax.axis_index("c")
        base = wid * _CHUNK
        pltpu.sync_copy(dest_hbm.at[wid], dest_v)

        def load(j):
            return pltpu.async_copy(
                x_hbm.at[pl.ds(base + j * _SUB, _SUB)], rows_v.at[j % 2],
                ldsem)

        def scatter(j):
            return pltpu.async_copy(
                rows_v.at[j % 2], xs_pad_hbm.at[dest_v.at[j]], sem)

        ld = {0: load(0), 1: load(1)}
        st = {}
        ld[0].wait(); st[0] = scatter(0)
        ld[1].wait(); st[1] = scatter(1)
        st[0].wait(); ld[2] = load(2)
        st[1].wait(); ld[3] = load(3)
        ld[2].wait(); st[2] = scatter(2)
        ld[3].wait(); st[3] = scatter(3)
        st[2].wait(); st[3].wait()

    @functools.partial(
        pl.kernel,
        out_type=jax.ShapeDtypeStruct((_N_TOK, _N_EMBD), jnp.float32),
        mesh=sc_mesh,
        scratch_types=[
            pltpu.VMEM((_NSUB, _SUB), jnp.int32),
            pltpu.VMEM((2, _SUB, _N_EMBD), jnp.float32),
            pltpu.SemaphoreType.DMA,
            pltpu.SemaphoreType.DMA,
        ],
    )
    def sc_undispatch(out_pad_hbm, dest_hbm, out_hbm, dest_v, rows_v, gsem,
                      stsem):
        wid = lax.axis_index("s") * _NC + lax.axis_index("c")
        base = wid * _CHUNK
        pltpu.sync_copy(dest_hbm.at[wid], dest_v)

        def gather(j):
            return pltpu.async_copy(
                out_pad_hbm.at[dest_v.at[j]], rows_v.at[j % 2], gsem)

        def store(j):
            return pltpu.async_copy(
                rows_v.at[j % 2], out_hbm.at[pl.ds(base + j * _SUB, _SUB)],
                stsem)

        g = {0: gather(0), 1: gather(1)}
        s = {}
        g[0].wait(); s[0] = store(0)
        g[1].wait(); s[1] = store(1)
        s[0].wait(); g[2] = gather(2)
        s[1].wait(); g[3] = gather(3)
        g[2].wait(); s[2] = store(2)
        g[3].wait(); s[3] = store(3)
        s[2].wait(); s[3].wait()

    return sc_dispatch, sc_undispatch


def _sc_dispatch(xbf_i32, dest):
    return _make_sc_kernels()[0](xbf_i32, dest)


def _sc_undispatch(out_pad, dest):
    return _make_sc_kernels()[1](out_pad, dest)


def _ffn_body(be_ref, act_ref, obi_ref, xs_ref, w1s_ref, w2s_ref, w1e_ref,
              w2e_ref, out_ref):
    b = pl.program_id(0)

    @pl.when(act_ref[b] != 0)
    def _():
        xb = xs_ref[...].astype(jnp.bfloat16)
        w1s = w1s_ref[...].astype(jnp.bfloat16)
        w2s = w2s_ref[...].astype(jnp.bfloat16)
        w1e = w1e_ref[...].astype(jnp.bfloat16)
        w2e = w2e_ref[...].astype(jnp.bfloat16)
        hs = jnp.dot(xb, w1s, preferred_element_type=jnp.float32)
        hs = jnp.square(jnp.maximum(hs, 0.0)).astype(jnp.bfloat16)
        acc = jnp.dot(hs, w2s, preferred_element_type=jnp.float32)
        he = jnp.dot(xb, w1e, preferred_element_type=jnp.float32)
        he = jnp.square(jnp.maximum(he, 0.0)).astype(jnp.bfloat16)
        acc = acc + jnp.dot(he, w2e, preferred_element_type=jnp.float32)
        out_ref[...] = acc


def _grouped_ffn(xs_pad, W1s, W2s, W1e2, W2e2, block_expert, block_active,
                 out_block):
    grid_spec = pltpu.PrefetchScalarGridSpec(
        num_scalar_prefetch=3,
        grid=(_NB_MAX,),
        in_specs=[
            pl.BlockSpec((_B, _N_EMBD),
                         lambda b, be, act, obi: (act[b] * b, 0)),
            pl.BlockSpec((_N_EMBD, _E_DIM), lambda b, be, act, obi: (0, 0)),
            pl.BlockSpec((_E_DIM, _N_EMBD), lambda b, be, act, obi: (0, 0)),
            pl.BlockSpec((_N_EMBD, _E_DIM),
                         lambda b, be, act, obi: (be[b], 0)),
            pl.BlockSpec((_E_DIM, _N_EMBD),
                         lambda b, be, act, obi: (be[b], 0)),
        ],
        out_specs=pl.BlockSpec((_B, _N_EMBD),
                               lambda b, be, act, obi: (obi[b], 0)),
    )
    return pl.pallas_call(
        _ffn_body,
        grid_spec=grid_spec,
        out_shape=jax.ShapeDtypeStruct((_PAD, _N_EMBD), jnp.float32),
    )(block_expert, block_active, out_block, xs_pad, W1s, W2s, W1e2, W2e2)


@jax.jit
def kernel(x, W1s, W2s, Wr, W1e, W2e):
    x_flat = x.reshape(-1, _N_EMBD)
    eid3, rank3, counts8 = _router(x_flat, Wr)
    counts = counts8[0].astype(jnp.int32)
    tiles = (counts + _B - 1) // _B
    cum_tiles = jnp.cumsum(tiles).astype(jnp.int32)
    tile_start_rows = ((cum_tiles - tiles) * _B).astype(jnp.int32)
    tsr8 = jnp.broadcast_to(tile_start_rows[None, :], (8, _N_EXP))
    cumt8 = jnp.broadcast_to(cum_tiles[None, :], (8, _N_EXP))

    dest3, be3, act3, obi3 = _dest_kernel(eid3, rank3, tsr8, cumt8)
    dest = dest3.reshape(_NW, _NSUB, _SUB)
    be = be3.reshape(_NB_MAX)
    active = act3.reshape(_NB_MAX)
    obi = obi3.reshape(_NB_MAX)
    xs_pad = _sc_dispatch(x_flat, dest)

    out_pad = _grouped_ffn(
        xs_pad, W1s, W2s,
        W1e.reshape(_N_EXP * _N_EMBD, _E_DIM),
        W2e.reshape(_N_EXP * _E_DIM, _N_EMBD),
        be, active, obi)
    out = _sc_undispatch(out_pad, dest)
    return out.reshape(x.shape)

# --- scband reference (transcript-rebuilt; emitter-appended) ---
"""Pipeline reference for scband-gpt-47158740910265 (READ-ONLY COPY).

The authoritative reference and input builder live on the scoring server;
editing this copy changes nothing except your own understanding.
"""

import jax, jax.numpy as jnp
import numpy as np

N_EMBD = 768
NUM_EXPERTS = 64
TOP_K = 1
EXPERT_DIM = 192
N_SHARED = 1
SHARED_DIM = EXPERT_DIM * N_SHARED
N_TOK = 8192


def setup_inputs(seed: int = 0) -> dict:
    key = jax.random.key(seed)
    ks = jax.random.split(key, 7)
    x = jax.random.normal(ks[0], (N_TOK, N_EMBD), dtype=jnp.float32)
    # weights stored as [in, out] (transposed torch Linear.weight)
    W1s = jax.random.normal(ks[1], (N_EMBD, SHARED_DIM), dtype=jnp.float32) * 0.02
    W2s = jax.random.normal(ks[2], (SHARED_DIM, N_EMBD), dtype=jnp.float32) * 0.02
    Wr = jax.random.normal(ks[3], (N_EMBD, NUM_EXPERTS), dtype=jnp.float32) * 0.02
    W1e = jax.random.normal(ks[4], (NUM_EXPERTS, N_EMBD, EXPERT_DIM), dtype=jnp.float32) * 0.02
    W2e = jax.random.normal(ks[5], (NUM_EXPERTS, EXPERT_DIM, N_EMBD), dtype=jnp.float32) * 0.02
    return {"x": x, "W1s": W1s, "W2s": W2s, "Wr": Wr, "W1e": W1e, "W2e": W2e}


def reference(x, W1s, W2s, Wr, W1e, W2e):
    # DeepSeekMoE forward: shared expert + top-k routed experts
    x_flat = x.reshape(-1, N_EMBD)
    # shared expert: Linear -> SquaredReLU -> Linear
    out_shared = jnp.square(jax.nn.relu(x_flat @ W1s)) @ W2s
    # router
    router_logits = x_flat @ Wr
    routing_weights, selected_experts = jax.lax.top_k(router_logits, TOP_K)
    routing_weights = jax.nn.softmax(routing_weights.astype(jnp.float32), axis=-1).astype(x.dtype)
    out_routed = jnp.zeros_like(out_shared)
    for i in range(NUM_EXPERTS):
        loc_mask = (selected_experts == i)
        prob_i = (routing_weights * loc_mask).sum(axis=1)
        expert_out = jnp.square(jax.nn.relu(x_flat @ W1e[i])) @ W2e[i]
        out_routed = out_routed + expert_out * prob_i[:, None]
    return (out_shared + out_routed).reshape(x.shape)

if __name__ == "__main__":
    import jax
    _d = setup_inputs()
    print(jax.jit(kernel)(*tuple(_d.values())))

</pallas_src>

<mosaic_0001>
#map = affine_map<(d0, d1) -> (0, 0)>
#map1 = affine_map<(d0, d1) -> (0, 0, 0)>
module attributes {stable_mosaic.version = 14 : i64} {
  func.func @sc_undispatch(%arg0: i32, %arg1: i32, %arg2: memref<16384x768xf32, #tpu.memory_space<hbm>>, %arg3: memref<32x4x64xi32, #tpu.memory_space<hbm>>, %arg4: memref<8192x768xf32, #tpu.memory_space<hbm>>, %arg5: memref<4x64xi32, #tpu.memory_space<vmem>>, %arg6: memref<2x64x768xf32, #tpu.memory_space<vmem>>, %arg7: memref<!tpu.dma_semaphore, #tpu.memory_space<semaphore_mem>>, %arg8: memref<!tpu.dma_semaphore, #tpu.memory_space<semaphore_mem>>) attributes {dimension_semantics = [#tpu.dimension_semantics<core_parallel>, #tpu.dimension_semantics<subcore_parallel>], iteration_bounds = array<i64: 2, 16>, scalar_prefetch = 0 : i64, scratch_operands = 4 : i64, tpu.core_type = #tpu.core_type<sc_vector_subcore>, window_params = [{transform_indices = #map}, {transform_indices = #map1}, {transform_indices = #map}]} {
    %mul3A = arith.constant 2 : i32
    %mul3A_0 = arith.muli %arg1, %mul3A : i32
    %add3A = arith.addi %mul3A_0, %arg0 : i32
    %mul3A_1 = arith.constant 256 : i32
    %mul3A_2 = arith.muli %add3A, %mul3A_1 : i32
    "tpu.region"() ({
      %run_scoped3A = tpu.sem_alloc : memref<!tpu.dma_semaphore, #tpu.memory_space<semaphore_mem>>
      %dma_start3A_209 = arith.constant 0 : i32
      %dma_start3A_210 = arith.constant 0 : i32
      %dma_start3A_211 = tpu.memref_slice %arg3[%add3A, %dma_start3A_209, %dma_start3A_210] : memref<32x4x64xi32, #tpu.memory_space<hbm>> -> memref<1x4x64xi32, #tpu.memory_space<hbm>>
      %dma_start3A_212 = tpu.memref_squeeze %dma_start3A_211 : memref<1x4x64xi32, #tpu.memory_space<hbm>> -> memref<4x64xi32, #tpu.memory_space<hbm>>
      %dma_start3A_213 = arith.constant 0 : i32
      %dma_start3A_214 = arith.constant 0 : i32
      %dma_start3A_215 = tpu.memref_slice %arg3[%add3A, %dma_start3A_213, %dma_start3A_214] : memref<32x4x64xi32, #tpu.memory_space<hbm>> -> memref<1x4x64xi32, #tpu.memory_space<hbm>>
      %dma_start3A_216 = tpu.memref_squeeze %dma_start3A_215 : memref<1x4x64xi32, #tpu.memory_space<hbm>> -> memref<4x64xi32, #tpu.memory_space<hbm>>
      tpu.enqueue_dma source(%dma_start3A_216 : memref<4x64xi32, #tpu.memory_space<hbm>>) target(%arg5 : memref<4x64xi32, #tpu.memory_space<vmem>>) target_semaphore(%run_scoped3A : memref<!tpu.dma_semaphore, #tpu.memory_space<semaphore_mem>>)
      %dma_wait3A_217 = arith.constant 0 : i32
      %dma_wait3A_218 = arith.constant 0 : i32
      %dma_wait3A_219 = tpu.memref_slice %arg3[%add3A, %dma_wait3A_217, %dma_wait3A_218] : memref<32x4x64xi32, #tpu.memory_space<hbm>> -> memref<1x4x64xi32, #tpu.memory_space<hbm>>
      %dma_wait3A_220 = tpu.memref_squeeze %dma_wait3A_219 : memref<1x4x64xi32, #tpu.memory_space<hbm>> -> memref<4x64xi32, #tpu.memory_space<hbm>>
      %dma_wait3A_221 = arith.constant 0 : i32
      %dma_wait3A_222 = arith.constant 0 : i32
      %dma_wait3A_223 = tpu.memref_slice %arg3[%add3A, %dma_wait3A_221, %dma_wait3A_222] : memref<32x4x64xi32, #tpu.memory_space<hbm>> -> memref<1x4x64xi32, #tpu.memory_space<hbm>>
      %dma_wait3A_224 = tpu.memref_squeeze %dma_wait3A_223 : memref<1x4x64xi32, #tpu.memory_space<hbm>> -> memref<4x64xi32, #tpu.memory_space<hbm>>
      tpu.wait_dma2 semaphore(%run_scoped3A : memref<!tpu.dma_semaphore, #tpu.memory_space<semaphore_mem>>) src(%dma_wait3A_224 : memref<4x64xi32, #tpu.memory_space<hbm>>) dst(%arg5 : memref<4x64xi32, #tpu.memory_space<vmem>>)
      tpu.yield
    }) : () -> ()
    %dma_start3A = arith.constant 0 : i32
    %dma_start3A_3 = arith.constant 0 : i32
    %dma_start3A_4 = arith.constant 0 : i32
    %dma_start3A_5 = arith.constant 0 : i32
    %dma_start3A_6 = tpu.memref_slice %arg6[%dma_start3A_3, %dma_start3A_4, %dma_start3A_5] : memref<2x64x768xf32, #tpu.memory_space<vmem>> -> memref<1x64x768xf32, #tpu.memory_space<vmem>>
    %dma_start3A_7 = tpu.memref_squeeze %dma_start3A_6 : memref<1x64x768xf32, #tpu.memory_space<vmem>> -> memref<64x768xf32, #tpu.memory_space<vmem>>
    %dma_start3A_8 = arith.constant 0 : i32
    %dma_start3A_9 = tpu.memref_slice %arg5[%dma_start3A, %dma_start3A_8] : memref<4x64xi32, #tpu.memory_space<vmem>> -> memref<1x64xi32, #tpu.memory_space<vmem>>
    %dma_start3A_10 = tpu.memref_squeeze %dma_start3A_9 : memref<1x64xi32, #tpu.memory_space<vmem>> -> memref<64xi32, #tpu.memory_space<vmem>>
    %dma_start3A_11 = arith.constant 0 : i32
    %dma_start3A_12 = arith.constant 0 : i32
    %dma_start3A_13 = tpu.memref_slice %arg2[%dma_start3A_11, %dma_start3A_12] : memref<16384x768xf32, #tpu.memory_space<hbm>> -> memref<16384x768xf32, #tpu.memory_space<hbm>>
    tpu.enqueue_indirect_dma source(%dma_start3A_13 : memref<16384x768xf32, #tpu.memory_space<hbm>>) target(%dma_start3A_7 : memref<64x768xf32, #tpu.memory_space<vmem>>) offsets(%dma_start3A_10 : memref<64xi32, #tpu.memory_space<vmem>>) semaphore(%arg7 : memref<!tpu.dma_semaphore, #tpu.memory_space<semaphore_mem>>)
    %dma_start3A_14 = arith.constant 1 : i32
    %dma_start3A_15 = arith.constant 1 : i32
    %dma_start3A_16 = arith.constant 0 : i32
    %dma_start3A_17 = arith.constant 0 : i32
    %dma_start3A_18 = tpu.memref_slice %arg6[%dma_start3A_15, %dma_start3A_16, %dma_start3A_17] : memref<2x64x768xf32, #tpu.memory_space<vmem>> -> memref<1x64x768xf32, #tpu.memory_space<vmem>>
    %dma_start3A_19 = tpu.memref_squeeze %dma_start3A_18 : memref<1x64x768xf32, #tpu.memory_space<vmem>> -> memref<64x768xf32, #tpu.memory_space<vmem>>
    %dma_start3A_20 = arith.constant 0 : i32
    %dma_start3A_21 = tpu.memref_slice %arg5[%dma_start3A_14, %dma_start3A_20] : memref<4x64xi32, #tpu.memory_space<vmem>> -> memref<1x64xi32, #tpu.memory_space<vmem>>
    %dma_start3A_22 = tpu.memref_squeeze %dma_start3A_21 : memref<1x64xi32, #tpu.memory_space<vmem>> -> memref<64xi32, #tpu.memory_space<vmem>>
    %dma_start3A_23 = arith.constant 0 : i32
    %dma_start3A_24 = arith.constant 0 : i32
    %dma_start3A_25 = tpu.memref_slice %arg2[%dma_start3A_23, %dma_start3A_24] : memref<16384x768xf32, #tpu.memory_space<hbm>> -> memref<16384x768xf32, #tpu.memory_space<hbm>>
    tpu.enqueue_indirect_dma source(%dma_start3A_25 : memref<16384x768xf32, #tpu.memory_space<hbm>>) target(%dma_start3A_19 : memref<64x768xf32, #tpu.memory_space<vmem>>) offsets(%dma_start3A_22 : memref<64xi32, #tpu.memory_space<vmem>>) semaphore(%arg7 : memref<!tpu.dma_semaphore, #tpu.memory_space<semaphore_mem>>)
    %dma_wait3A = arith.constant 0 : i32
    %dma_wait3A_26 = arith.constant 0 : i32
    %dma_wait3A_27 = arith.constant 0 : i32
    %dma_wait3A_28 = arith.constant 0 : i32
    %dma_wait3A_29 = tpu.memref_slice %arg6[%dma_wait3A_26, %dma_wait3A_27, %dma_wait3A_28] : memref<2x64x768xf32, #tpu.memory_space<vmem>> -> memref<1x64x768xf32, #tpu.memory_space<vmem>>
    %dma_wait3A_30 = tpu.memref_squeeze %dma_wait3A_29 : memref<1x64x768xf32, #tpu.memory_space<vmem>> -> memref<64x768xf32, #tpu.memory_space<vmem>>
    %dma_wait3A_31 = arith.constant 0 : i32
    %dma_wait3A_32 = tpu.memref_slice %arg5[%dma_wait3A, %dma_wait3A_31] : memref<4x64xi32, #tpu.memory_space<vmem>> -> memref<1x64xi32, #tpu.memory_space<vmem>>
    %dma_wait3A_33 = tpu.memref_squeeze %dma_wait3A_32 : memref<1x64xi32, #tpu.memory_space<vmem>> -> memref<64xi32, #tpu.memory_space<vmem>>
    %dma_wait3A_34 = arith.constant 0 : i32
    %dma_wait3A_35 = arith.constant 0 : i32
    %dma_wait3A_36 = tpu.memref_slice %arg2[%dma_wait3A_34, %dma_wait3A_35] : memref<16384x768xf32, #tpu.memory_space<hbm>> -> memref<16384x768xf32, #tpu.memory_space<hbm>>
    tpu.wait_indirect_dma semaphore(%arg7 : memref<!tpu.dma_semaphore, #tpu.memory_space<semaphore_mem>>) src(%dma_wait3A_36 : memref<16384x768xf32, #tpu.memory_space<hbm>>) dst(%dma_wait3A_30 : memref<64x768xf32, #tpu.memory_space<vmem>>)
    %add3A_37 = arith.constant 0 : i32
    %add3A_38 = arith.addi %mul3A_2, %add3A_37 : i32
    %dma_start3A_39 = arith.constant 0 : i32
    %dma_start3A_40 = arith.constant 0 : i32
    %dma_start3A_41 = arith.constant 0 : i32
    %dma_start3A_42 = tpu.memref_slice %arg6[%dma_start3A_39, %dma_start3A_40, %dma_start3A_41] : memref<2x64x768xf32, #tpu.memory_space<vmem>> -> memref<1x64x768xf32, #tpu.memory_space<vmem>>
    %dma_start3A_43 = tpu.memref_squeeze %dma_start3A_42 : memref<1x64x768xf32, #tpu.memory_space<vmem>> -> memref<64x768xf32, #tpu.memory_space<vmem>>
    %dma_start3A_44 = arith.constant 0 : i32
    %dma_start3A_45 = tpu.memref_slice %arg4[%add3A_38, %dma_start3A_44] : memref<8192x768xf32, #tpu.memory_space<hbm>> -> memref<64x768xf32, #tpu.memory_space<hbm>>
    %dma_start3A_46 = arith.constant 0 : i32
    %dma_start3A_47 = tpu.memref_slice %arg4[%add3A_38, %dma_start3A_46] : memref<8192x768xf32, #tpu.memory_space<hbm>> -> memref<64x768xf32, #tpu.memory_space<hbm>>
    %dma_start3A_48 = arith.constant 0 : i32
    %dma_start3A_49 = arith.constant 0 : i32
    %dma_start3A_50 = tpu.memref_slice %arg6[%dma_start3A_39, %dma_start3A_48, %dma_start3A_49] : memref<2x64x768xf32, #tpu.memory_space<vmem>> -> memref<1x64x768xf32, #tpu.memory_space<vmem>>
    %dma_start3A_51 = tpu.memref_squeeze %dma_start3A_50 : memref<1x64x768xf32, #tpu.memory_space<vmem>> -> memref<64x768xf32, #tpu.memory_space<vmem>>
    tpu.enqueue_dma source(%dma_start3A_51 : memref<64x768xf32, #tpu.memory_space<vmem>>) target(%dma_start3A_47 : memref<64x768xf32, #tpu.memory_space<hbm>>) target_semaphore(%arg8 : memref<!tpu.dma_semaphore, #tpu.memory_space<semaphore_mem>>)
    %dma_wait3A_52 = arith.constant 1 : i32
    %dma_wait3A_53 = arith.constant 1 : i32
    %dma_wait3A_54 = arith.constant 0 : i32
    %dma_wait3A_55 = arith.constant 0 : i32
    %dma_wait3A_56 = tpu.memref_slice %arg6[%dma_wait3A_53, %dma_wait3A_54, %dma_wait3A_55] : memref<2x64x768xf32, #tpu.memory_space<vmem>> -> memref<1x64x768xf32, #tpu.memory_space<vmem>>
    %dma_wait3A_57 = tpu.memref_squeeze %dma_wait3A_56 : memref<1x64x768xf32, #tpu.memory_space<vmem>> -> memref<64x768xf32, #tpu.memory_space<vmem>>
    %dma_wait3A_58 = arith.constant 0 : i32
    %dma_wait3A_59 = tpu.memref_slice %arg5[%dma_wait3A_52, %dma_wait3A_58] : memref<4x64xi32, #tpu.memory_space<vmem>> -> memref<1x64xi32, #tpu.memory_space<vmem>>
    %dma_wait3A_60 = tpu.memref_squeeze %dma_wait3A_59 : memref<1x64xi32, #tpu.memory_space<vmem>> -> memref<64xi32, #tpu.memory_space<vmem>>
    %dma_wait3A_61 = arith.constant 0 : i32
    %dma_wait3A_62 = arith.constant 0 : i32
    %dma_wait3A_63 = tpu.memref_slice %arg2[%dma_wait3A_61, %dma_wait3A_62] : memref<16384x768xf32, #tpu.memory_space<hbm>> -> memref<16384x768xf32, #tpu.memory_space<hbm>>
    tpu.wait_indirect_dma semaphore(%arg7 : memref<!tpu.dma_semaphore, #tpu.memory_space<semaphore_mem>>) src(%dma_wait3A_63 : memref<16384x768xf32, #tpu.memory_space<hbm>>) dst(%dma_wait3A_57 : memref<64x768xf32, #tpu.memory_space<vmem>>)
    %add3A_64 = arith.constant 64 : i32
    %add3A_65 = arith.addi %mul3A_2, %add3A_64 : i32
    %dma_start3A_66 = arith.constant 1 : i32
    %dma_start3A_67 = arith.constant 0 : i32
    %dma_start3A_68 = arith.constant 0 : i32
    %dma_start3A_69 = tpu.memref_slice %arg6[%dma_start3A_66, %dma_start3A_67, %dma_start3A_68] : memref<2x64x768xf32, #tpu.memory_space<vmem>> -> memref<1x64x768xf32, #tpu.memory_space<vmem>>
    %dma_start3A_70 = tpu.memref_squeeze %dma_start3A_69 : memref<1x64x768xf32, #tpu.memory_space<vmem>> -> memref<64x768xf32, #tpu.memory_space<vmem>>
    %dma_start3A_71 = arith.constant 0 : i32
    %dma_start3A_72 = tpu.memref_slice %arg4[%add3A_65, %dma_start3A_71] : memref<8192x768xf32, #tpu.memory_space<hbm>> -> memref<64x768xf32, #tpu.memory_space<hbm>>
    %dma_start3A_73 = arith.constant 0 : i32
    %dma_start3A_74 = tpu.memref_slice %arg4[%add3A_65, %dma_start3A_73] : memref<8192x768xf32, #tpu.memory_space<hbm>> -> memref<64x768xf32, #tpu.memory_space<hbm>>
    %dma_start3A_75 = arith.constant 0 : i32
    %dma_start3A_76 = arith.constant 0 : i32
    %dma_start3A_77 = tpu.memref_slice %arg6[%dma_start3A_66, %dma_start3A_75, %dma_start3A_76] : memref<2x64x768xf32, #tpu.memory_space<vmem>> -> memref<1x64x768xf32, #tpu.memory_space<vmem>>
    %dma_start3A_78 = tpu.memref_squeeze %dma_start3A_77 : memref<1x64x768xf32, #tpu.memory_space<vmem>> -> memref<64x768xf32, #tpu.memory_space<vmem>>
    tpu.enqueue_dma source(%dma_start3A_78 : memref<64x768xf32, #tpu.memory_space<vmem>>) target(%dma_start3A_74 : memref<64x768xf32, #tpu.memory_space<hbm>>) target_semaphore(%arg8 : memref<!tpu.dma_semaphore, #tpu.memory_space<semaphore_mem>>)
    %dma_wait3A_79 = arith.constant 0 : i32
    %dma_wait3A_80 = arith.constant 0 : i32
    %dma_wait3A_81 = arith.constant 0 : i32
    %dma_wait3A_82 = tpu.memref_slice %arg6[%dma_wait3A_79, %dma_wait3A_80, %dma_wait3A_81] : memref<2x64x768xf32, #tpu.memory_space<vmem>> -> memref<1x64x768xf32, #tpu.memory_space<vmem>>
    %dma_wait3A_83 = tpu.memref_squeeze %dma_wait3A_82 : memref<1x64x768xf32, #tpu.memory_space<vmem>> -> memref<64x768xf32, #tpu.memory_space<vmem>>
    %dma_wait3A_84 = arith.constant 0 : i32
    %dma_wait3A_85 = tpu.memref_slice %arg4[%add3A_38, %dma_wait3A_84] : memref<8192x768xf32, #tpu.memory_space<hbm>> -> memref<64x768xf32, #tpu.memory_space<hbm>>
    %dma_wait3A_86 = arith.constant 0 : i32
    %dma_wait3A_87 = tpu.memref_slice %arg4[%add3A_38, %dma_wait3A_86] : memref<8192x768xf32, #tpu.memory_space<hbm>> -> memref<64x768xf32, #tpu.memory_space<hbm>>
    %dma_wait3A_88 = arith.constant 0 : i32
    %dma_wait3A_89 = arith.constant 0 : i32
    %dma_wait3A_90 = tpu.memref_slice %arg6[%dma_wait3A_79, %dma_wait3A_88, %dma_wait3A_89] : memref<2x64x768xf32, #tpu.memory_space<vmem>> -> memref<1x64x768xf32, #tpu.memory_space<vmem>>
    %dma_wait3A_91 = tpu.memref_squeeze %dma_wait3A_90 : memref<1x64x768xf32, #tpu.memory_space<vmem>> -> memref<64x768xf32, #tpu.memory_space<vmem>>
    tpu.wait_dma2 semaphore(%arg8 : memref<!tpu.dma_semaphore, #tpu.memory_space<semaphore_mem>>) src(%dma_wait3A_91 : memref<64x768xf32, #tpu.memory_space<vmem>>) dst(%dma_wait3A_87 : memref<64x768xf32, #tpu.memory_space<hbm>>)
    %dma_start3A_92 = arith.constant 2 : i32
    %dma_start3A_93 = arith.constant 0 : i32
    %dma_start3A_94 = arith.constant 0 : i32
    %dma_start3A_95 = arith.constant 0 : i32
    %dma_start3A_96 = tpu.memref_slice %arg6[%dma_start3A_93, %dma_start3A_94, %dma_start3A_95] : memref<2x64x768xf32, #tpu.memory_space<vmem>> -> memref<1x64x768xf32, #tpu.memory_space<vmem>>
    %dma_start3A_97 = tpu.memref_squeeze %dma_start3A_96 : memref<1x64x768xf32, #tpu.memory_space<vmem>> -> memref<64x768xf32, #tpu.memory_space<vmem>>
    %dma_start3A_98 = arith.constant 0 : i32
    %dma_start3A_99 = tpu.memref_slice %arg5[%dma_start3A_92, %dma_start3A_98] : memref<4x64xi32, #tpu.memory_space<vmem>> -> memref<1x64xi32, #tpu.memory_space<vmem>>
    %dma_start3A_100 = tpu.memref_squeeze %dma_start3A_99 : memref<1x64xi32, #tpu.memory_space<vmem>> -> memref<64xi32, #tpu.memory_space<vmem>>
    %dma_start3A_101 = arith.constant 0 : i32
    %dma_start3A_102 = arith.constant 0 : i32
    %dma_start3A_103 = tpu.memref_slice %arg2[%dma_start3A_101, %dma_start3A_102] : memref<16384x768xf32, #tpu.memory_space<hbm>> -> memref<16384x768xf32, #tpu.memory_space<hbm>>
    tpu.enqueue_indirect_dma source(%dma_start3A_103 : memref<16384x768xf32, #tpu.memory_space<hbm>>) target(%dma_start3A_97 : memref<64x768xf32, #tpu.memory_space<vmem>>) offsets(%dma_start3A_100 : memref<64xi32, #tpu.memory_space<vmem>>) semaphore(%arg7 : memref<!tpu.dma_semaphore, #tpu.memory_space<semaphore_mem>>)
    %dma_wait3A_104 = arith.constant 1 : i32
    %dma_wait3A_105 = arith.constant 0 : i32
    %dma_wait3A_106 = arith.constant 0 : i32
    %dma_wait3A_107 = tpu.memref_slice %arg6[%dma_wait3A_104, %dma_wait3A_105, %dma_wait3A_106] : memref<2x64x768xf32, #tpu.memory_space<vmem>> -> memref<1x64x768xf32, #tpu.memory_space<vmem>>
    %dma_wait3A_108 = tpu.memref_squeeze %dma_wait3A_107 : memref<1x64x768xf32, #tpu.memory_space<vmem>> -> memref<64x768xf32, #tpu.memory_space<vmem>>
    %dma_wait3A_109 = arith.constant 0 : i32
    %dma_wait3A_110 = tpu.memref_slice %arg4[%add3A_65, %dma_wait3A_109] : memref<8192x768xf32, #tpu.memory_space<hbm>> -> memref<64x768xf32, #tpu.memory_space<hbm>>
    %dma_wait3A_111 = arith.constant 0 : i32
    %dma_wait3A_112 = tpu.memref_slice %arg4[%add3A_65, %dma_wait3A_111] : memref<8192x768xf32, #tpu.memory_space<hbm>> -> memref<64x768xf32, #tpu.memory_space<hbm>>
    %dma_wait3A_113 = arith.constant 0 : i32
    %dma_wait3A_114 = arith.constant 0 : i32
    %dma_wait3A_115 = tpu.memref_slice %arg6[%dma_wait3A_104, %dma_wait3A_113, %dma_wait3A_114] : memref<2x64x768xf32, #tpu.memory_space<vmem>> -> memref<1x64x768xf32, #tpu.memory_space<vmem>>
    %dma_wait3A_116 = tpu.memref_squeeze %dma_wait3A_115 : memref<1x64x768xf32, #tpu.memory_space<vmem>> -> memref<64x768xf32, #tpu.memory_space<vmem>>
    tpu.wait_dma2 semaphore(%arg8 : memref<!tpu.dma_semaphore, #tpu.memory_space<semaphore_mem>>) src(%dma_wait3A_116 : memref<64x768xf32, #tpu.memory_space<vmem>>) dst(%dma_wait3A_112 : memref<64x768xf32, #tpu.memory_space<hbm>>)
    %dma_start3A_117 = arith.constant 3 : i32
    %dma_start3A_118 = arith.constant 1 : i32
    %dma_start3A_119 = arith.constant 0 : i32
    %dma_start3A_120 = arith.constant 0 : i32
    %dma_start3A_121 = tpu.memref_slice %arg6[%dma_start3A_118, %dma_start3A_119, %dma_start3A_120] : memref<2x64x768xf32, #tpu.memory_space<vmem>> -> memref<1x64x768xf32, #tpu.memory_space<vmem>>
    %dma_start3A_122 = tpu.memref_squeeze %dma_start3A_121 : memref<1x64x768xf32, #tpu.memory_space<vmem>> -> memref<64x768xf32, #tpu.memory_space<vmem>>
    %dma_start3A_123 = arith.constant 0 : i32
    %dma_start3A_124 = tpu.memref_slice %arg5[%dma_start3A_117, %dma_start3A_123] : memref<4x64xi32, #tpu.memory_space<vmem>> -> memref<1x64xi32, #tpu.memory_space<vmem>>
    %dma_start3A_125 = tpu.memref_squeeze %dma_start3A_124 : memref<1x64xi32, #tpu.memory_space<vmem>> -> memref<64xi32, #tpu.memory_space<vmem>>
    %dma_start3A_126 = arith.constant 0 : i32
    %dma_start3A_127 = arith.constant 0 : i32
    %dma_start3A_128 = tpu.memref_slice %arg2[%dma_start3A_126, %dma_start3A_127] : memref<16384x768xf32, #tpu.memory_space<hbm>> -> memref<16384x768xf32, #tpu.memory_space<hbm>>
    tpu.enqueue_indirect_dma source(%dma_start3A_128 : memref<16384x768xf32, #tpu.memory_space<hbm>>) target(%dma_start3A_122 : memref<64x768xf32, #tpu.memory_space<vmem>>) offsets(%dma_start3A_125 : memref<64xi32, #tpu.memory_space<vmem>>) semaphore(%arg7 : memref<!tpu.dma_semaphore, #tpu.memory_space<semaphore_mem>>)
    %dma_wait3A_129 = arith.constant 2 : i32
    %dma_wait3A_130 = arith.constant 0 : i32
    %dma_wait3A_131 = arith.constant 0 : i32
    %dma_wait3A_132 = arith.constant 0 : i32
    %dma_wait3A_133 = tpu.memref_slice %arg6[%dma_wait3A_130, %dma_wait3A_131, %dma_wait3A_132] : memref<2x64x768xf32, #tpu.memory_space<vmem>> -> memref<1x64x768xf32, #tpu.memory_space<vmem>>
    %dma_wait3A_134 = tpu.memref_squeeze %dma_wait3A_133 : memref<1x64x768xf32, #tpu.memory_space<vmem>> -> memref<64x768xf32, #tpu.memory_space<vmem>>
    %dma_wait3A_135 = arith.constant 0 : i32
    %dma_wait3A_136 = tpu.memref_slice %arg5[%dma_wait3A_129, %dma_wait3A_135] : memref<4x64xi32, #tpu.memory_space<vmem>> -> memref<1x64xi32, #tpu.memory_space<vmem>>
    %dma_wait3A_137 = tpu.memref_squeeze %dma_wait3A_136 : memref<1x64xi32, #tpu.memory_space<vmem>> -> memref<64xi32, #tpu.memory_space<vmem>>
    %dma_wait3A_138 = arith.constant 0 : i32
    %dma_wait3A_139 = arith.constant 0 : i32
    %dma_wait3A_140 = tpu.memref_slice %arg2[%dma_wait3A_138, %dma_wait3A_139] : memref<16384x768xf32, #tpu.memory_space<hbm>> -> memref<16384x768xf32, #tpu.memory_space<hbm>>
    tpu.wait_indirect_dma semaphore(%arg7 : memref<!tpu.dma_semaphore, #tpu.memory_space<semaphore_mem>>) src(%dma_wait3A_140 : memref<16384x768xf32, #tpu.memory_space<hbm>>) dst(%dma_wait3A_134 : memref<64x768xf32, #tpu.memory_space<vmem>>)
    %add3A_141 = arith.constant 128 : i32
    %add3A_142 = arith.addi %mul3A_2, %add3A_141 : i32
    %dma_start3A_143 = arith.constant 0 : i32
    %dma_start3A_144 = arith.constant 0 : i32
    %dma_start3A_145 = arith.constant 0 : i32
    %dma_start3A_146 = tpu.memref_slice %arg6[%dma_start3A_143, %dma_start3A_144, %dma_start3A_145] : memref<2x64x768xf32, #tpu.memory_space<vmem>> -> memref<1x64x768xf32, #tpu.memory_space<vmem>>
    %dma_start3A_147 = tpu.memref_squeeze %dma_start3A_146 : memref<1x64x768xf32, #tpu.memory_space<vmem>> -> memref<64x768xf32, #tpu.memory_space<vmem>>
    %dma_start3A_148 = arith.constant 0 : i32
    %dma_start3A_149 = tpu.memref_slice %arg4[%add3A_142, %dma_start3A_148] : memref<8192x768xf32, #tpu.memory_space<hbm>> -> memref<64x768xf32, #tpu.memory_space<hbm>>
    %dma_start3A_150 = arith.constant 0 : i32
    %dma_start3A_151 = tpu.memref_slice %arg4[%add3A_142, %dma_start3A_150] : memref<8192x768xf32, #tpu.memory_space<hbm>> -> memref<64x768xf32, #tpu.memory_space<hbm>>
    %dma_start3A_152 = arith.constant 0 : i32
    %dma_start3A_153 = arith.constant 0 : i32
    %dma_start3A_154 = tpu.memref_slice %arg6[%dma_start3A_143, %dma_start3A_152, %dma_start3A_153] : memref<2x64x768xf32, #tpu.memory_space<vmem>> -> memref<1x64x768xf32, #tpu.memory_space<vmem>>
    %dma_start3A_155 = tpu.memref_squeeze %dma_start3A_154 : memref<1x64x768xf32, #tpu.memory_space<vmem>> -> memref<64x768xf32, #tpu.memory_space<vmem>>
    tpu.enqueue_dma source(%dma_start3A_155 : memref<64x768xf32, #tpu.memory_space<vmem>>) target(%dma_start3A_151 : memref<64x768xf32, #tpu.memory_space<hbm>>) target_semaphore(%arg8 : memref<!tpu.dma_semaphore, #tpu.memory_space<semaphore_mem>>)
    %dma_wait3A_156 = arith.constant 3 : i32
    %dma_wait3A_157 = arith.constant 1 : i32
    %dma_wait3A_158 = arith.constant 0 : i32
    %dma_wait3A_159 = arith.constant 0 : i32
    %dma_wait3A_160 = tpu.memref_slice %arg6[%dma_wait3A_157, %dma_wait3A_158, %dma_wait3A_159] : memref<2x64x768xf32, #tpu.memory_space<vmem>> -> memref<1x64x768xf32, #tpu.memory_space<vmem>>
    %dma_wait3A_161 = tpu.memref_squeeze %dma_wait3A_160 : memref<1x64x768xf32, #tpu.memory_space<vmem>> -> memref<64x768xf32, #tpu.memory_space<vmem>>
    %dma_wait3A_162 = arith.constant 0 : i32
    %dma_wait3A_163 = tpu.memref_slice %arg5[%dma_wait3A_156, %dma_wait3A_162] : memref<4x64xi32, #tpu.memory_space<vmem>> -> memref<1x64xi32, #tpu.memory_space<vmem>>
    %dma_wait3A_164 = tpu.memref_squeeze %dma_wait3A_163 : memref<1x64xi32, #tpu.memory_space<vmem>> -> memref<64xi32, #tpu.memory_space<vmem>>
    %dma_wait3A_165 = arith.constant 0 : i32
    %dma_wait3A_166 = arith.constant 0 : i32
    %dma_wait3A_167 = tpu.memref_slice %arg2[%dma_wait3A_165, %dma_wait3A_166] : memref<16384x768xf32, #tpu.memory_space<hbm>> -> memref<16384x768xf32, #tpu.memory_space<hbm>>
    tpu.wait_indirect_dma semaphore(%arg7 : memref<!tpu.dma_semaphore, #tpu.memory_space<semaphore_mem>>) src(%dma_wait3A_167 : memref<16384x768xf32, #tpu.memory_space<hbm>>) dst(%dma_wait3A_161 : memref<64x768xf32, #tpu.memory_space<vmem>>)
    %add3A_168 = arith.constant 192 : i32
    %add3A_169 = arith.addi %mul3A_2, %add3A_168 : i32
    %dma_start3A_170 = arith.constant 1 : i32
    %dma_start3A_171 = arith.constant 0 : i32
    %dma_start3A_172 = arith.constant 0 : i32
    %dma_start3A_173 = tpu.memref_slice %arg6[%dma_start3A_170, %dma_start3A_171, %dma_start3A_172] : memref<2x64x768xf32, #tpu.memory_space<vmem>> -> memref<1x64x768xf32, #tpu.memory_space<vmem>>
    %dma_start3A_174 = tpu.memref_squeeze %dma_start3A_173 : memref<1x64x768xf32, #tpu.memory_space<vmem>> -> memref<64x768xf32, #tpu.memory_space<vmem>>
    %dma_start3A_175 = arith.constant 0 : i32
    %dma_start3A_176 = tpu.memref_slice %arg4[%add3A_169, %dma_start3A_175] : memref<8192x768xf32, #tpu.memory_space<hbm>> -> memref<64x768xf32, #tpu.memory_space<hbm>>
    %dma_start3A_177 = arith.constant 0 : i32
    %dma_start3A_178 = tpu.memref_slice %arg4[%add3A_169, %dma_start3A_177] : memref<8192x768xf32, #tpu.memory_space<hbm>> -> memref<64x768xf32, #tpu.memory_space<hbm>>
    %dma_start3A_179 = arith.constant 0 : i32
    %dma_start3A_180 = arith.constant 0 : i32
    %dma_start3A_181 = tpu.memref_slice %arg6[%dma_start3A_170, %dma_start3A_179, %dma_start3A_180] : memref<2x64x768xf32, #tpu.memory_space<vmem>> -> memref<1x64x768xf32, #tpu.memory_space<vmem>>
    %dma_start3A_182 = tpu.memref_squeeze %dma_start3A_181 : memref<1x64x768xf32, #tpu.memory_space<vmem>> -> memref<64x768xf32, #tpu.memory_space<vmem>>
    tpu.enqueue_dma source(%dma_start3A_182 : memref<64x768xf32, #tpu.memory_space<vmem>>) target(%dma_start3A_178 : memref<64x768xf32, #tpu.memory_space<hbm>>) target_semaphore(%arg8 : memref<!tpu.dma_semaphore, #tpu.memory_space<semaphore_mem>>)
    %dma_wait3A_183 = arith.constant 0 : i32
    %dma_wait3A_184 = arith.constant 0 : i32
    %dma_wait3A_185 = arith.constant 0 : i32
    %dma_wait3A_186 = tpu.memref_slice %arg6[%dma_wait3A_183, %dma_wait3A_184, %dma_wait3A_185] : memref<2x64x768xf32, #tpu.memory_space<vmem>> -> memref<1x64x768xf32, #tpu.memory_space<vmem>>
    %dma_wait3A_187 = tpu.memref_squeeze %dma_wait3A_186 : memref<1x64x768xf32, #tpu.memory_space<vmem>> -> memref<64x768xf32, #tpu.memory_space<vmem>>
    %dma_wait3A_188 = arith.constant 0 : i32
    %dma_wait3A_189 = tpu.memref_slice %arg4[%add3A_142, %dma_wait3A_188] : memref<8192x768xf32, #tpu.memory_space<hbm>> -> memref<64x768xf32, #tpu.memory_space<hbm>>
    %dma_wait3A_190 = arith.constant 0 : i32
    %dma_wait3A_191 = tpu.memref_slice %arg4[%add3A_142, %dma_wait3A_190] : memref<8192x768xf32, #tpu.memory_space<hbm>> -> memref<64x768xf32, #tpu.memory_space<hbm>>
    %dma_wait3A_192 = arith.constant 0 : i32
    %dma_wait3A_193 = arith.constant 0 : i32
    %dma_wait3A_194 = tpu.memref_slice %arg6[%dma_wait3A_183, %dma_wait3A_192, %dma_wait3A_193] : memref<2x64x768xf32, #tpu.memory_space<vmem>> -> memref<1x64x768xf32, #tpu.memory_space<vmem>>
    %dma_wait3A_195 = tpu.memref_squeeze %dma_wait3A_194 : memref<1x64x768xf32, #tpu.memory_space<vmem>> -> memref<64x768xf32, #tpu.memory_space<vmem>>
    tpu.wait_dma2 semaphore(%arg8 : memref<!tpu.dma_semaphore, #tpu.memory_space<semaphore_mem>>) src(%dma_wait3A_195 : memref<64x768xf32, #tpu.memory_space<vmem>>) dst(%dma_wait3A_191 : memref<64x768xf32, #tpu.memory_space<hbm>>)
    %dma_wait3A_196 = arith.constant 1 : i32
    %dma_wait3A_197 = arith.constant 0 : i32
    %dma_wait3A_198 = arith.constant 0 : i32
    %dma_wait3A_199 = tpu.memref_slice %arg6[%dma_wait3A_196, %dma_wait3A_197, %dma_wait3A_198] : memref<2x64x768xf32, #tpu.memory_space<vmem>> -> memref<1x64x768xf32, #tpu.memory_space<vmem>>
    %dma_wait3A_200 = tpu.memref_squeeze %dma_wait3A_199 : memref<1x64x768xf32, #tpu.memory_space<vmem>> -> memref<64x768xf32, #tpu.memory_space<vmem>>
    %dma_wait3A_201 = arith.constant 0 : i32
    %dma_wait3A_202 = tpu.memref_slice %arg4[%add3A_169, %dma_wait3A_201] : memref<8192x768xf32, #tpu.memory_space<hbm>> -> memref<64x768xf32, #tpu.memory_space<hbm>>
    %dma_wait3A_203 = arith.constant 0 : i32
    %dma_wait3A_204 = tpu.memref_slice %arg4[%add3A_169, %dma_wait3A_203] : memref<8192x768xf32, #tpu.memory_space<hbm>> -> memref<64x768xf32, #tpu.memory_space<hbm>>
    %dma_wait3A_205 = arith.constant 0 : i32
    %dma_wait3A_206 = arith.constant 0 : i32
    %dma_wait3A_207 = tpu.memref_slice %arg6[%dma_wait3A_196, %dma_wait3A_205, %dma_wait3A_206] : memref<2x64x768xf32, #tpu.memory_space<vmem>> -> memref<1x64x768xf32, #tpu.memory_space<vmem>>
    %dma_wait3A_208 = tpu.memref_squeeze %dma_wait3A_207 : memref<1x64x768xf32, #tpu.memory_space<vmem>> -> memref<64x768xf32, #tpu.memory_space<vmem>>
    tpu.wait_dma2 semaphore(%arg8 : memref<!tpu.dma_semaphore, #tpu.memory_space<semaphore_mem>>) src(%dma_wait3A_208 : memref<64x768xf32, #tpu.memory_space<vmem>>) dst(%dma_wait3A_204 : memref<64x768xf32, #tpu.memory_space<hbm>>)
    return
  }
}

#map = affine_map<(d0, d1) -> (0, 0)>
#map1 = affine_map<(d0, d1) -> (0, 0, 0)>
module attributes {stable_mosaic.version = 14 : i64} {
  func.func @sc_dispatch(%arg0: i32, %arg1: i32, %arg2: memref<8192x768xf32, #tpu.memory_space<hbm>>, %arg3: memref<32x4x64xi32, #tpu.memory_space<hbm>>, %arg4: memref<16384x768xf32, #tpu.memory_space<hbm>>, %arg5: memref<4x64xi32, #tpu.memory_space<vmem>>, %arg6: memref<2x64x768xf32, #tpu.memory_space<vmem>>, %arg7: memref<!tpu.dma_semaphore, #tpu.memory_space<semaphore_mem>>, %arg8: memref<!tpu.dma_semaphore, #tpu.memory_space<semaphore_mem>>) attributes {dimension_semantics = [#tpu.dimension_semantics<core_parallel>, #tpu.dimension_semantics<subcore_parallel>], iteration_bounds = array<i64: 2, 16>, scalar_prefetch = 0 : i64, scratch_operands = 4 : i64, tpu.core_type = #tpu.core_type<sc_vector_subcore>, window_params = [{transform_indices = #map}, {transform_indices = #map1}, {transform_indices = #map}]} {
    %mul3A = arith.constant 2 : i32
    %mul3A_0 = arith.muli %arg1, %mul3A : i32
    %add3A = arith.addi %mul3A_0, %arg0 : i32
    %mul3A_1 = arith.constant 256 : i32
    %mul3A_2 = arith.muli %add3A, %mul3A_1 : i32
    "tpu.region"() ({
      %run_scoped3A = tpu.sem_alloc : memref<!tpu.dma_semaphore, #tpu.memory_space<semaphore_mem>>
      %dma_start3A_209 = arith.constant 0 : i32
      %dma_start3A_210 = arith.constant 0 : i32
      %dma_start3A_211 = tpu.memref_slice %arg3[%add3A, %dma_start3A_209, %dma_start3A_210] : memref<32x4x64xi32, #tpu.memory_space<hbm>> -> memref<1x4x64xi32, #tpu.memory_space<hbm>>
      %dma_start3A_212 = tpu.memref_squeeze %dma_start3A_211 : memref<1x4x64xi32, #tpu.memory_space<hbm>> -> memref<4x64xi32, #tpu.memory_space<hbm>>
      %dma_start3A_213 = arith.constant 0 : i32
      %dma_start3A_214 = arith.constant 0 : i32
      %dma_start3A_215 = tpu.memref_slice %arg3[%add3A, %dma_start3A_213, %dma_start3A_214] : memref<32x4x64xi32, #tpu.memory_space<hbm>> -> memref<1x4x64xi32, #tpu.memory_space<hbm>>
      %dma_start3A_216 = tpu.memref_squeeze %dma_start3A_215 : memref<1x4x64xi32, #tpu.memory_space<hbm>> -> memref<4x64xi32, #tpu.memory_space<hbm>>
      tpu.enqueue_dma source(%dma_start3A_216 : memref<4x64xi32, #tpu.memory_space<hbm>>) target(%arg5 : memref<4x64xi32, #tpu.memory_space<vmem>>) target_semaphore(%run_scoped3A : memref<!tpu.dma_semaphore, #tpu.memory_space<semaphore_mem>>)
      %dma_wait3A_217 = arith.constant 0 : i32
      %dma_wait3A_218 = arith.constant 0 : i32
      %dma_wait3A_219 = tpu.memref_slice %arg3[%add3A, %dma_wait3A_217, %dma_wait3A_218] : memref<32x4x64xi32, #tpu.memory_space<hbm>> -> memref<1x4x64xi32, #tpu.memory_space<hbm>>
      %dma_wait3A_220 = tpu.memref_squeeze %dma_wait3A_219 : memref<1x4x64xi32, #tpu.memory_space<hbm>> -> memref<4x64xi32, #tpu.memory_space<hbm>>
      %dma_wait3A_221 = arith.constant 0 : i32
      %dma_wait3A_222 = arith.constant 0 : i32
      %dma_wait3A_223 = tpu.memref_slice %arg3[%add3A, %dma_wait3A_221, %dma_wait3A_222] : memref<32x4x64xi32, #tpu.memory_space<hbm>> -> memref<1x4x64xi32, #tpu.memory_space<hbm>>
      %dma_wait3A_224 = tpu.memref_squeeze %dma_wait3A_223 : memref<1x4x64xi32, #tpu.memory_space<hbm>> -> memref<4x64xi32, #tpu.memory_space<hbm>>
      tpu.wait_dma2 semaphore(%run_scoped3A : memref<!tpu.dma_semaphore, #tpu.memory_space<semaphore_mem>>) src(%dma_wait3A_224 : memref<4x64xi32, #tpu.memory_space<hbm>>) dst(%arg5 : memref<4x64xi32, #tpu.memory_space<vmem>>)
      tpu.yield
    }) : () -> ()
    %add3A_3 = arith.constant 0 : i32
    %add3A_4 = arith.addi %mul3A_2, %add3A_3 : i32
    %dma_start3A = arith.constant 0 : i32
    %dma_start3A_5 = arith.constant 0 : i32
    %dma_start3A_6 = arith.constant 0 : i32
    %dma_start3A_7 = tpu.memref_slice %arg6[%dma_start3A, %dma_start3A_5, %dma_start3A_6] : memref<2x64x768xf32, #tpu.memory_space<vmem>> -> memref<1x64x768xf32, #tpu.memory_space<vmem>>
    %dma_start3A_8 = tpu.memref_squeeze %dma_start3A_7 : memref<1x64x768xf32, #tpu.memory_space<vmem>> -> memref<64x768xf32, #tpu.memory_space<vmem>>
    %dma_start3A_9 = arith.constant 0 : i32
    %dma_start3A_10 = tpu.memref_slice %arg2[%add3A_4, %dma_start3A_9] : memref<8192x768xf32, #tpu.memory_space<hbm>> -> memref<64x768xf32, #tpu.memory_space<hbm>>
    %dma_start3A_11 = arith.constant 0 : i32
    %dma_start3A_12 = arith.constant 0 : i32
    %dma_start3A_13 = tpu.memref_slice %arg6[%dma_start3A, %dma_start3A_11, %dma_start3A_12] : memref<2x64x768xf32, #tpu.memory_space<vmem>> -> memref<1x64x768xf32, #tpu.memory_space<vmem>>
    %dma_start3A_14 = tpu.memref_squeeze %dma_start3A_13 : memref<1x64x768xf32, #tpu.memory_space<vmem>> -> memref<64x768xf32, #tpu.memory_space<vmem>>
    %dma_start3A_15 = arith.constant 0 : i32
    %dma_start3A_16 = tpu.memref_slice %arg2[%add3A_4, %dma_start3A_15] : memref<8192x768xf32, #tpu.memory_space<hbm>> -> memref<64x768xf32, #tpu.memory_space<hbm>>
    tpu.enqueue_dma source(%dma_start3A_16 : memref<64x768xf32, #tpu.memory_space<hbm>>) target(%dma_start3A_14 : memref<64x768xf32, #tpu.memory_space<vmem>>) target_semaphore(%arg7 : memref<!tpu.dma_semaphore, #tpu.memory_space<semaphore_mem>>)
    %add3A_17 = arith.constant 64 : i32
    %add3A_18 = arith.addi %mul3A_2, %add3A_17 : i32
    %dma_start3A_19 = arith.constant 1 : i32
    %dma_start3A_20 = arith.constant 0 : i32
    %dma_start3A_21 = arith.constant 0 : i32
    %dma_start3A_22 = tpu.memref_slice %arg6[%dma_start3A_19, %dma_start3A_20, %dma_start3A_21] : memref<2x64x768xf32, #tpu.memory_space<vmem>> -> memref<1x64x768xf32, #tpu.memory_space<vmem>>
    %dma_start3A_23 = tpu.memref_squeeze %dma_start3A_22 : memref<1x64x768xf32, #tpu.memory_space<vmem>> -> memref<64x768xf32, #tpu.memory_space<vmem>>
    %dma_start3A_24 = arith.constant 0 : i32
    %dma_start3A_25 = tpu.memref_slice %arg2[%add3A_18, %dma_start3A_24] : memref<8192x768xf32, #tpu.memory_space<hbm>> -> memref<64x768xf32, #tpu.memory_space<hbm>>
    %dma_start3A_26 = arith.constant 0 : i32
    %dma_start3A_27 = arith.constant 0 : i32
    %dma_start3A_28 = tpu.memref_slice %arg6[%dma_start3A_19, %dma_start3A_26, %dma_start3A_27] : memref<2x64x768xf32, #tpu.memory_space<vmem>> -> memref<1x64x768xf32, #tpu.memory_space<vmem>>
    %dma_start3A_29 = tpu.memref_squeeze %dma_start3A_28 : memref<1x64x768xf32, #tpu.memory_space<vmem>> -> memref<64x768xf32, #tpu.memory_space<vmem>>
    %dma_start3A_30 = arith.constant 0 : i32
    %dma_start3A_31 = tpu.memref_slice %arg2[%add3A_18, %dma_start3A_30] : memref<8192x768xf32, #tpu.memory_space<hbm>> -> memref<64x768xf32, #tpu.memory_space<hbm>>
    tpu.enqueue_dma source(%dma_start3A_31 : memref<64x768xf32, #tpu.memory_space<hbm>>) target(%dma_start3A_29 : memref<64x768xf32, #tpu.memory_space<vmem>>) target_semaphore(%arg7 : memref<!tpu.dma_semaphore, #tpu.memory_space<semaphore_mem>>)
    %dma_wait3A = arith.constant 0 : i32
    %dma_wait3A_32 = arith.constant 0 : i32
    %dma_wait3A_33 = arith.constant 0 : i32
    %dma_wait3A_34 = tpu.memref_slice %arg6[%dma_wait3A, %dma_wait3A_32, %dma_wait3A_33] : memref<2x64x768xf32, #tpu.memory_space<vmem>> -> memref<1x64x768xf32, #tpu.memory_space<vmem>>
    %dma_wait3A_35 = tpu.memref_squeeze %dma_wait3A_34 : memref<1x64x768xf32, #tpu.memory_space<vmem>> -> memref<64x768xf32, #tpu.memory_space<vmem>>
    %dma_wait3A_36 = arith.constant 0 : i32
    %dma_wait3A_37 = tpu.memref_slice %arg2[%add3A_4, %dma_wait3A_36] : memref<8192x768xf32, #tpu.memory_space<hbm>> -> memref<64x768xf32, #tpu.memory_space<hbm>>
    %dma_wait3A_38 = arith.constant 0 : i32
    %dma_wait3A_39 = arith.constant 0 : i32
    %dma_wait3A_40 = tpu.memref_slice %arg6[%dma_wait3A, %dma_wait3A_38, %dma_wait3A_39] : memref<2x64x768xf32, #tpu.memory_space<vmem>> -> memref<1x64x768xf32, #tpu.memory_space<vmem>>
    %dma_wait3A_41 = tpu.memref_squeeze %dma_wait3A_40 : memref<1x64x768xf32, #tpu.memory_space<vmem>> -> memref<64x768xf32, #tpu.memory_space<vmem>>
    %dma_wait3A_42 = arith.constant 0 : i32
    %dma_wait3A_43 = tpu.memref_slice %arg2[%add3A_4, %dma_wait3A_42] : memref<8192x768xf32, #tpu.memory_space<hbm>> -> memref<64x768xf32, #tpu.memory_space<hbm>>
    tpu.wait_dma2 semaphore(%arg7 : memref<!tpu.dma_semaphore, #tpu.memory_space<semaphore_mem>>) src(%dma_wait3A_43 : memref<64x768xf32, #tpu.memory_space<hbm>>) dst(%dma_wait3A_41 : memref<64x768xf32, #tpu.memory_space<vmem>>)
    %dma_start3A_44 = arith.constant 0 : i32
    %dma_start3A_45 = arith.constant 0 : i32
    %dma_start3A_46 = arith.constant 0 : i32
    %dma_start3A_47 = arith.constant 0 : i32
    %dma_start3A_48 = tpu.memref_slice %arg6[%dma_start3A_44, %dma_start3A_46, %dma_start3A_47] : memref<2x64x768xf32, #tpu.memory_space<vmem>> -> memref<1x64x768xf32, #tpu.memory_space<vmem>>
    %dma_start3A_49 = tpu.memref_squeeze %dma_start3A_48 : memref<1x64x768xf32, #tpu.memory_space<vmem>> -> memref<64x768xf32, #tpu.memory_space<vmem>>
    %dma_start3A_50 = arith.constant 0 : i32
    %dma_start3A_51 = tpu.memref_slice %arg5[%dma_start3A_45, %dma_start3A_50] : memref<4x64xi32, #tpu.memory_space<vmem>> -> memref<1x64xi32, #tpu.memory_space<vmem>>
    %dma_start3A_52 = tpu.memref_squeeze %dma_start3A_51 : memref<1x64xi32, #tpu.memory_space<vmem>> -> memref<64xi32, #tpu.memory_space<vmem>>
    %dma_start3A_53 = arith.constant 0 : i32
    %dma_start3A_54 = arith.constant 0 : i32
    %dma_start3A_55 = tpu.memref_slice %arg4[%dma_start3A_53, %dma_start3A_54] : memref<16384x768xf32, #tpu.memory_space<hbm>> -> memref<16384x768xf32, #tpu.memory_space<hbm>>
    tpu.enqueue_indirect_dma source(%dma_start3A_49 : memref<64x768xf32, #tpu.memory_space<vmem>>) target(%dma_start3A_55 : memref<16384x768xf32, #tpu.memory_space<hbm>>) offsets(%dma_start3A_52 : memref<64xi32, #tpu.memory_space<vmem>>) semaphore(%arg8 : memref<!tpu.dma_semaphore, #tpu.memory_space<semaphore_mem>>)
    %dma_wait3A_56 = arith.constant 1 : i32
    %dma_wait3A_57 = arith.constant 0 : i32
    %dma_wait3A_58 = arith.constant 0 : i32
    %dma_wait3A_59 = tpu.memref_slice %arg6[%dma_wait3A_56, %dma_wait3A_57, %dma_wait3A_58] : memref<2x64x768xf32, #tpu.memory_space<vmem>> -> memref<1x64x768xf32, #tpu.memory_space<vmem>>
    %dma_wait3A_60 = tpu.memref_squeeze %dma_wait3A_59 : memref<1x64x768xf32, #tpu.memory_space<vmem>> -> memref<64x768xf32, #tpu.memory_space<vmem>>
    %dma_wait3A_61 = arith.constant 0 : i32
    %dma_wait3A_62 = tpu.memref_slice %arg2[%add3A_18, %dma_wait3A_61] : memref<8192x768xf32, #tpu.memory_space<hbm>> -> memref<64x768xf32, #tpu.memory_space<hbm>>
    %dma_wait3A_63 = arith.constant 0 : i32
    %dma_wait3A_64 = arith.constant 0 : i32
    %dma_wait3A_65 = tpu.memref_slice %arg6[%dma_wait3A_56, %dma_wait3A_63, %dma_wait3A_64] : memref<2x64x768xf32, #tpu.memory_space<vmem>> -> memref<1x64x768xf32, #tpu.memory_space<vmem>>
    %dma_wait3A_66 = tpu.memref_squeeze %dma_wait3A_65 : memref<1x64x768xf32, #tpu.memory_space<vmem>> -> memref<64x768xf32, #tpu.memory_space<vmem>>
    %dma_wait3A_67 = arith.constant 0 : i32
    %dma_wait3A_68 = tpu.memref_slice %arg2[%add3A_18, %dma_wait3A_67] : memref<8192x768xf32, #tpu.memory_space<hbm>> -> memref<64x768xf32, #tpu.memory_space<hbm>>
    tpu.wait_dma2 semaphore(%arg7 : memref<!tpu.dma_semaphore, #tpu.memory_space<semaphore_mem>>) src(%dma_wait3A_68 : memref<64x768xf32, #tpu.memory_space<hbm>>) dst(%dma_wait3A_66 : memref<64x768xf32, #tpu.memory_space<vmem>>)
    %dma_start3A_69 = arith.constant 1 : i32
    %dma_start3A_70 = arith.constant 1 : i32
    %dma_start3A_71 = arith.constant 0 : i32
    %dma_start3A_72 = arith.constant 0 : i32
    %dma_start3A_73 = tpu.memref_slice %arg6[%dma_start3A_69, %dma_start3A_71, %dma_start3A_72] : memref<2x64x768xf32, #tpu.memory_space<vmem>> -> memref<1x64x768xf32, #tpu.memory_space<vmem>>
    %dma_start3A_74 = tpu.memref_squeeze %dma_start3A_73 : memref<1x64x768xf32, #tpu.memory_space<vmem>> -> memref<64x768xf32, #tpu.memory_space<vmem>>
    %dma_start3A_75 = arith.constant 0 : i32
    %dma_start3A_76 = tpu.memref_slice %arg5[%dma_start3A_70, %dma_start3A_75] : memref<4x64xi32, #tpu.memory_space<vmem>> -> memref<1x64xi32, #tpu.memory_space<vmem>>
    %dma_start3A_77 = tpu.memref_squeeze %dma_start3A_76 : memref<1x64xi32, #tpu.memory_space<vmem>> -> memref<64xi32, #tpu.memory_space<vmem>>
    %dma_start3A_78 = arith.constant 0 : i32
    %dma_start3A_79 = arith.constant 0 : i32
    %dma_start3A_80 = tpu.memref_slice %arg4[%dma_start3A_78, %dma_start3A_79] : memref<16384x768xf32, #tpu.memory_space<hbm>> -> memref<16384x768xf32, #tpu.memory_space<hbm>>
    tpu.enqueue_indirect_dma source(%dma_start3A_74 : memref<64x768xf32, #tpu.memory_space<vmem>>) target(%dma_start3A_80 : memref<16384x768xf32, #tpu.memory_space<hbm>>) offsets(%dma_start3A_77 : memref<64xi32, #tpu.memory_space<vmem>>) semaphore(%arg8 : memref<!tpu.dma_semaphore, #tpu.memory_space<semaphore_mem>>)
    %dma_wait3A_81 = arith.constant 0 : i32
    %dma_wait3A_82 = arith.constant 0 : i32
    %dma_wait3A_83 = arith.constant 0 : i32
    %dma_wait3A_84 = arith.constant 0 : i32
    %dma_wait3A_85 = tpu.memref_slice %arg6[%dma_wait3A_81, %dma_wait3A_83, %dma_wait3A_84] : memref<2x64x768xf32, #tpu.memory_space<vmem>> -> memref<1x64x768xf32, #tpu.memory_space<vmem>>
    %dma_wait3A_86 = tpu.memref_squeeze %dma_wait3A_85 : memref<1x64x768xf32, #tpu.memory_space<vmem>> -> memref<64x768xf32, #tpu.memory_space<vmem>>
    %dma_wait3A_87 = arith.constant 0 : i32
    %dma_wait3A_88 = tpu.memref_slice %arg5[%dma_wait3A_82, %dma_wait3A_87] : memref<4x64xi32, #tpu.memory_space<vmem>> -> memref<1x64xi32, #tpu.memory_space<vmem>>
    %dma_wait3A_89 = tpu.memref_squeeze %dma_wait3A_88 : memref<1x64xi32, #tpu.memory_space<vmem>> -> memref<64xi32, #tpu.memory_space<vmem>>
    %dma_wait3A_90 = arith.constant 0 : i32
    %dma_wait3A_91 = arith.constant 0 : i32
    %dma_wait3A_92 = tpu.memref_slice %arg4[%dma_wait3A_90, %dma_wait3A_91] : memref<16384x768xf32, #tpu.memory_space<hbm>> -> memref<16384x768xf32, #tpu.memory_space<hbm>>
    tpu.wait_indirect_dma semaphore(%arg8 : memref<!tpu.dma_semaphore, #tpu.memory_space<semaphore_mem>>) src(%dma_wait3A_86 : memref<64x768xf32, #tpu.memory_space<vmem>>) dst(%dma_wait3A_92 : memref<16384x768xf32, #tpu.memory_space<hbm>>)
    %add3A_93 = arith.constant 128 : i32
    %add3A_94 = arith.addi %mul3A_2, %add3A_93 : i32
    %dma_start3A_95 = arith.constant 0 : i32
    %dma_start3A_96 = arith.constant 0 : i32
    %dma_start3A_97 = arith.constant 0 : i32
    %dma_start3A_98 = tpu.memref_slice %arg6[%dma_start3A_95, %dma_start3A_96, %dma_start3A_97] : memref<2x64x768xf32, #tpu.memory_space<vmem>> -> memref<1x64x768xf32, #tpu.memory_space<vmem>>
    %dma_start3A_99 = tpu.memref_squeeze %dma_start3A_98 : memref<1x64x768xf32, #tpu.memory_space<vmem>> -> memref<64x768xf32, #tpu.memory_space<vmem>>
    %dma_start3A_100 = arith.constant 0 : i32
    %dma_start3A_101 = tpu.memref_slice %arg2[%add3A_94, %dma_start3A_100] : memref<8192x768xf32, #tpu.memory_space<hbm>> -> memref<64x768xf32, #tpu.memory_space<hbm>>
    %dma_start3A_102 = arith.constant 0 : i32
    %dma_start3A_103 = arith.constant 0 : i32
    %dma_start3A_104 = tpu.memref_slice %arg6[%dma_start3A_95, %dma_start3A_102, %dma_start3A_103] : memref<2x64x768xf32, #tpu.memory_space<vmem>> -> memref<1x64x768xf32, #tpu.memory_space<vmem>>
    %dma_start3A_105 = tpu.memref_squeeze %dma_start3A_104 : memref<1x64x768xf32, #tpu.memory_space<vmem>> -> memref<64x768xf32, #tpu.memory_space<vmem>>
    %dma_start3A_106 = arith.constant 0 : i32
    %dma_start3A_107 = tpu.memref_slice %arg2[%add3A_94, %dma_start3A_106] : memref<8192x768xf32, #tpu.memory_space<hbm>> -> memref<64x768xf32, #tpu.memory_space<hbm>>
    tpu.enqueue_dma source(%dma_start3A_107 : memref<64x768xf32, #tpu.memory_space<hbm>>) target(%dma_start3A_105 : memref<64x768xf32, #tpu.memory_space<vmem>>) target_semaphore(%arg7 : memref<!tpu.dma_semaphore, #tpu.memory_space<semaphore_mem>>)
    %dma_wait3A_108 = arith.constant 1 : i32
    %dma_wait3A_109 = arith.constant 1 : i32
    %dma_wait3A_110 = arith.constant 0 : i32
    %dma_wait3A_111 = arith.constant 0 : i32
    %dma_wait3A_112 = tpu.memref_slice %arg6[%dma_wait3A_108, %dma_wait3A_110, %dma_wait3A_111] : memref<2x64x768xf32, #tpu.memory_space<vmem>> -> memref<1x64x768xf32, #tpu.memory_space<vmem>>
    %dma_wait3A_113 = tpu.memref_squeeze %dma_wait3A_112 : memref<1x64x768xf32, #tpu.memory_space<vmem>> -> memref<64x768xf32, #tpu.memory_space<vmem>>
    %dma_wait3A_114 = arith.constant 0 : i32
    %dma_wait3A_115 = tpu.memref_slice %arg5[%dma_wait3A_109, %dma_wait3A_114] : memref<4x64xi32, #tpu.memory_space<vmem>> -> memref<1x64xi32, #tpu.memory_space<vmem>>
    %dma_wait3A_116 = tpu.memref_squeeze %dma_wait3A_115 : memref<1x64xi32, #tpu.memory_space<vmem>> -> memref<64xi32, #tpu.memory_space<vmem>>
    %dma_wait3A_117 = arith.constant 0 : i32
    %dma_wait3A_118 = arith.constant 0 : i32
    %dma_wait3A_119 = tpu.memref_slice %arg4[%dma_wait3A_117, %dma_wait3A_118] : memref<16384x768xf32, #tpu.memory_space<hbm>> -> memref<16384x768xf32, #tpu.memory_space<hbm>>
    tpu.wait_indirect_dma semaphore(%arg8 : memref<!tpu.dma_semaphore, #tpu.memory_space<semaphore_mem>>) src(%dma_wait3A_113 : memref<64x768xf32, #tpu.memory_space<vmem>>) dst(%dma_wait3A_119 : memref<16384x768xf32, #tpu.memory_space<hbm>>)
    %add3A_120 = arith.constant 192 : i32
    %add3A_121 = arith.addi %mul3A_2, %add3A_120 : i32
    %dma_start3A_122 = arith.constant 1 : i32
    %dma_start3A_123 = arith.constant 0 : i32
    %dma_start3A_124 = arith.constant 0 : i32
    %dma_start3A_125 = tpu.memref_slice %arg6[%dma_start3A_122, %dma_start3A_123, %dma_start3A_124] : memref<2x64x768xf32, #tpu.memory_space<vmem>> -> memref<1x64x768xf32, #tpu.memory_space<vmem>>
    %dma_start3A_126 = tpu.memref_squeeze %dma_start3A_125 : memref<1x64x768xf32, #tpu.memory_space<vmem>> -> memref<64x768xf32, #tpu.memory_space<vmem>>
    %dma_start3A_127 = arith.constant 0 : i32
    %dma_start3A_128 = tpu.memref_slice %arg2[%add3A_121, %dma_start3A_127] : memref<8192x768xf32, #tpu.memory_space<hbm>> -> memref<64x768xf32, #tpu.memory_space<hbm>>
    %dma_start3A_129 = arith.constant 0 : i32
    %dma_start3A_130 = arith.constant 0 : i32
    %dma_start3A_131 = tpu.memref_slice %arg6[%dma_start3A_122, %dma_start3A_129, %dma_start3A_130] : memref<2x64x768xf32, #tpu.memory_space<vmem>> -> memref<1x64x768xf32, #tpu.memory_space<vmem>>
    %dma_start3A_132 = tpu.memref_squeeze %dma_start3A_131 : memref<1x64x768xf32, #tpu.memory_space<vmem>> -> memref<64x768xf32, #tpu.memory_space<vmem>>
    %dma_start3A_133 = arith.constant 0 : i32
    %dma_start3A_134 = tpu.memref_slice %arg2[%add3A_121, %dma_start3A_133] : memref<8192x768xf32, #tpu.memory_space<hbm>> -> memref<64x768xf32, #tpu.memory_space<hbm>>
    tpu.enqueue_dma source(%dma_start3A_134 : memref<64x768xf32, #tpu.memory_space<hbm>>) target(%dma_start3A_132 : memref<64x768xf32, #tpu.memory_space<vmem>>) target_semaphore(%arg7 : memref<!tpu.dma_semaphore, #tpu.memory_space<semaphore_mem>>)
    %dma_wait3A_135 = arith.constant 0 : i32
    %dma_wait3A_136 = arith.constant 0 : i32
    %dma_wait3A_137 = arith.constant 0 : i32
    %dma_wait3A_138 = tpu.memref_slice %arg6[%dma_wait3A_135, %dma_wait3A_136, %dma_wait3A_137] : memref<2x64x768xf32, #tpu.memory_space<vmem>> -> memref<1x64x768xf32, #tpu.memory_space<vmem>>
    %dma_wait3A_139 = tpu.memref_squeeze %dma_wait3A_138 : memref<1x64x768xf32, #tpu.memory_space<vmem>> -> memref<64x768xf32, #tpu.memory_space<vmem>>
    %dma_wait3A_140 = arith.constant 0 : i32
    %dma_wait3A_141 = tpu.memref_slice %arg2[%add3A_94, %dma_wait3A_140] : memref<8192x768xf32, #tpu.memory_space<hbm>> -> memref<64x768xf32, #tpu.memory_space<hbm>>
    %dma_wait3A_142 = arith.constant 0 : i32
    %dma_wait3A_143 = arith.constant 0 : i32
    %dma_wait3A_144 = tpu.memref_slice %arg6[%dma_wait3A_135, %dma_wait3A_142, %dma_wait3A_143] : memref<2x64x768xf32, #tpu.memory_space<vmem>> -> memref<1x64x768xf32, #tpu.memory_space<vmem>>
    %dma_wait3A_145 = tpu.memref_squeeze %dma_wait3A_144 : memref<1x64x768xf32, #tpu.memory_space<vmem>> -> memref<64x768xf32, #tpu.memory_space<vmem>>
    %dma_wait3A_146 = arith.constant 0 : i32
    %dma_wait3A_147 = tpu.memref_slice %arg2[%add3A_94, %dma_wait3A_146] : memref<8192x768xf32, #tpu.memory_space<hbm>> -> memref<64x768xf32, #tpu.memory_space<hbm>>
    tpu.wait_dma2 semaphore(%arg7 : memref<!tpu.dma_semaphore, #tpu.memory_space<semaphore_mem>>) src(%dma_wait3A_147 : memref<64x768xf32, #tpu.memory_space<hbm>>) dst(%dma_wait3A_145 : memref<64x768xf32, #tpu.memory_space<vmem>>)
    %dma_start3A_148 = arith.constant 0 : i32
    %dma_start3A_149 = arith.constant 2 : i32
    %dma_start3A_150 = arith.constant 0 : i32
    %dma_start3A_151 = arith.constant 0 : i32
    %dma_start3A_152 = tpu.memref_slice %arg6[%dma_start3A_148, %dma_start3A_150, %dma_start3A_151] : memref<2x64x768xf32, #tpu.memory_space<vmem>> -> memref<1x64x768xf32, #tpu.memory_space<vmem>>
    %dma_start3A_153 = tpu.memref_squeeze %dma_start3A_152 : memref<1x64x768xf32, #tpu.memory_space<vmem>> -> memref<64x768xf32, #tpu.memory_space<vmem>>
    %dma_start3A_154 = arith.constant 0 : i32
    %dma_start3A_155 = tpu.memref_slice %arg5[%dma_start3A_149, %dma_start3A_154] : memref<4x64xi32, #tpu.memory_space<vmem>> -> memref<1x64xi32, #tpu.memory_space<vmem>>
    %dma_start3A_156 = tpu.memref_squeeze %dma_start3A_155 : memref<1x64xi32, #tpu.memory_space<vmem>> -> memref<64xi32, #tpu.memory_space<vmem>>
    %dma_start3A_157 = arith.constant 0 : i32
    %dma_start3A_158 = arith.constant 0 : i32
    %dma_start3A_159 = tpu.memref_slice %arg4[%dma_start3A_157, %dma_start3A_158] : memref<16384x768xf32, #tpu.memory_space<hbm>> -> memref<16384x768xf32, #tpu.memory_space<hbm>>
    tpu.enqueue_indirect_dma source(%dma_start3A_153 : memref<64x768xf32, #tpu.memory_space<vmem>>) target(%dma_start3A_159 : memref<16384x768xf32, #tpu.memory_space<hbm>>) offsets(%dma_start3A_156 : memref<64xi32, #tpu.memory_space<vmem>>) semaphore(%arg8 : memref<!tpu.dma_semaphore, #tpu.memory_space<semaphore_mem>>)
    %dma_wait3A_160 = arith.constant 1 : i32
    %dma_wait3A_161 = arith.constant 0 : i32
    %dma_wait3A_162 = arith.constant 0 : i32
    %dma_wait3A_163 = tpu.memref_slice %arg6[%dma_wait3A_160, %dma_wait3A_161, %dma_wait3A_162] : memref<2x64x768xf32, #tpu.memory_space<vmem>> -> memref<1x64x768xf32, #tpu.memory_space<vmem>>
    %dma_wait3A_164 = tpu.memref_squeeze %dma_wait3A_163 : memref<1x64x768xf32, #tpu.memory_space<vmem>> -> memref<64x768xf32, #tpu.memory_space<vmem>>
    %dma_wait3A_165 = arith.constant 0 : i32
    %dma_wait3A_166 = tpu.memref_slice %arg2[%add3A_121, %dma_wait3A_165] : memref<8192x768xf32, #tpu.memory_space<hbm>> -> memref<64x768xf32, #tpu.memory_space<hbm>>
    %dma_wait3A_167 = arith.constant 0 : i32
    %dma_wait3A_168 = arith.constant 0 : i32
    %dma_wait3A_169 = tpu.memref_slice %arg6[%dma_wait3A_160, %dma_wait3A_167, %dma_wait3A_168] : memref<2x64x768xf32, #tpu.memory_space<vmem>> -> memref<1x64x768xf32, #tpu.memory_space<vmem>>
    %dma_wait3A_170 = tpu.memref_squeeze %dma_wait3A_169 : memref<1x64x768xf32, #tpu.memory_space<vmem>> -> memref<64x768xf32, #tpu.memory_space<vmem>>
    %dma_wait3A_171 = arith.constant 0 : i32
    %dma_wait3A_172 = tpu.memref_slice %arg2[%add3A_121, %dma_wait3A_171] : memref<8192x768xf32, #tpu.memory_space<hbm>> -> memref<64x768xf32, #tpu.memory_space<hbm>>
    tpu.wait_dma2 semaphore(%arg7 : memref<!tpu.dma_semaphore, #tpu.memory_space<semaphore_mem>>) src(%dma_wait3A_172 : memref<64x768xf32, #tpu.memory_space<hbm>>) dst(%dma_wait3A_170 : memref<64x768xf32, #tpu.memory_space<vmem>>)
    %dma_start3A_173 = arith.constant 1 : i32
    %dma_start3A_174 = arith.constant 3 : i32
    %dma_start3A_175 = arith.constant 0 : i32
    %dma_start3A_176 = arith.constant 0 : i32
    %dma_start3A_177 = tpu.memref_slice %arg6[%dma_start3A_173, %dma_start3A_175, %dma_start3A_176] : memref<2x64x768xf32, #tpu.memory_space<vmem>> -> memref<1x64x768xf32, #tpu.memory_space<vmem>>
    %dma_start3A_178 = tpu.memref_squeeze %dma_start3A_177 : memref<1x64x768xf32, #tpu.memory_space<vmem>> -> memref<64x768xf32, #tpu.memory_space<vmem>>
    %dma_start3A_179 = arith.constant 0 : i32
    %dma_start3A_180 = tpu.memref_slice %arg5[%dma_start3A_174, %dma_start3A_179] : memref<4x64xi32, #tpu.memory_space<vmem>> -> memref<1x64xi32, #tpu.memory_space<vmem>>
    %dma_start3A_181 = tpu.memref_squeeze %dma_start3A_180 : memref<1x64xi32, #tpu.memory_space<vmem>> -> memref<64xi32, #tpu.memory_space<vmem>>
    %dma_start3A_182 = arith.constant 0 : i32
    %dma_start3A_183 = arith.constant 0 : i32
    %dma_start3A_184 = tpu.memref_slice %arg4[%dma_start3A_182, %dma_start3A_183] : memref<16384x768xf32, #tpu.memory_space<hbm>> -> memref<16384x768xf32, #tpu.memory_space<hbm>>
    tpu.enqueue_indirect_dma source(%dma_start3A_178 : memref<64x768xf32, #tpu.memory_space<vmem>>) target(%dma_start3A_184 : memref<16384x768xf32, #tpu.memory_space<hbm>>) offsets(%dma_start3A_181 : memref<64xi32, #tpu.memory_space<vmem>>) semaphore(%arg8 : memref<!tpu.dma_semaphore, #tpu.memory_space<semaphore_mem>>)
    %dma_wait3A_185 = arith.constant 0 : i32
    %dma_wait3A_186 = arith.constant 2 : i32
    %dma_wait3A_187 = arith.constant 0 : i32
    %dma_wait3A_188 = arith.constant 0 : i32
    %dma_wait3A_189 = tpu.memref_slice %arg6[%dma_wait3A_185, %dma_wait3A_187, %dma_wait3A_188] : memref<2x64x768xf32, #tpu.memory_space<vmem>> -> memref<1x64x768xf32, #tpu.memory_space<vmem>>
    %dma_wait3A_190 = tpu.memref_squeeze %dma_wait3A_189 : memref<1x64x768xf32, #tpu.memory_space<vmem>> -> memref<64x768xf32, #tpu.memory_space<vmem>>
    %dma_wait3A_191 = arith.constant 0 : i32
    %dma_wait3A_192 = tpu.memref_slice %arg5[%dma_wait3A_186, %dma_wait3A_191] : memref<4x64xi32, #tpu.memory_space<vmem>> -> memref<1x64xi32, #tpu.memory_space<vmem>>
    %dma_wait3A_193 = tpu.memref_squeeze %dma_wait3A_192 : memref<1x64xi32, #tpu.memory_space<vmem>> -> memref<64xi32, #tpu.memory_space<vmem>>
    %dma_wait3A_194 = arith.constant 0 : i32
    %dma_wait3A_195 = arith.constant 0 : i32
    %dma_wait3A_196 = tpu.memref_slice %arg4[%dma_wait3A_194, %dma_wait3A_195] : memref<16384x768xf32, #tpu.memory_space<hbm>> -> memref<16384x768xf32, #tpu.memory_space<hbm>>
    tpu.wait_indirect_dma semaphore(%arg8 : memref<!tpu.dma_semaphore, #tpu.memory_space<semaphore_mem>>) src(%dma_wait3A_190 : memref<64x768xf32, #tpu.memory_space<vmem>>) dst(%dma_wait3A_196 : memref<16384x768xf32, #tpu.memory_space<hbm>>)
    %dma_wait3A_197 = arith.constant 1 : i32
    %dma_wait3A_198 = arith.constant 3 : i32
    %dma_wait3A_199 = arith.constant 0 : i32
    %dma_wait3A_200 = arith.constant 0 : i32
    %dma_wait3A_201 = tpu.memref_slice %arg6[%dma_wait3A_197, %dma_wait3A_199, %dma_wait3A_200] : memref<2x64x768xf32, #tpu.memory_space<vmem>> -> memref<1x64x768xf32, #tpu.memory_space<vmem>>
    %dma_wait3A_202 = tpu.memref_squeeze %dma_wait3A_201 : memref<1x64x768xf32, #tpu.memory_space<vmem>> -> memref<64x768xf32, #tpu.memory_space<vmem>>
    %dma_wait3A_203 = arith.constant 0 : i32
    %dma_wait3A_204 = tpu.memref_slice %arg5[%dma_wait3A_198, %dma_wait3A_203] : memref<4x64xi32, #tpu.memory_space<vmem>> -> memref<1x64xi32, #tpu.memory_space<vmem>>
    %dma_wait3A_205 = tpu.memref_squeeze %dma_wait3A_204 : memref<1x64xi32, #tpu.memory_space<vmem>> -> memref<64xi32, #tpu.memory_space<vmem>>
    %dma_wait3A_206 = arith.constant 0 : i32
    %dma_wait3A_207 = arith.constant 0 : i32
    %dma_wait3A_208 = tpu.memref_slice %arg4[%dma_wait3A_206, %dma_wait3A_207] : memref<16384x768xf32, #tpu.memory_space<hbm>> -> memref<16384x768xf32, #tpu.memory_space<hbm>>
    tpu.wait_indirect_dma semaphore(%arg8 : memref<!tpu.dma_semaphore, #tpu.memory_space<semaphore_mem>>) src(%dma_wait3A_202 : memref<64x768xf32, #tpu.memory_space<vmem>>) dst(%dma_wait3A_208 : memref<16384x768xf32, #tpu.memory_space<hbm>>)
    return
  }
}

module attributes {stable_mosaic.version = 14 : i64} {
  func.func @_router_body(%arg0: i32, %arg1: memref<512x768xf32, #tpu.memory_space<vmem>>, %arg2: memref<768x64xf32, #tpu.memory_space<vmem>>, %arg3: memref<1x1x512xi32, #tpu.memory_space<vmem>>, %arg4: memref<1x1x512xi32, #tpu.memory_space<vmem>>, %arg5: memref<8x64xf32, #tpu.memory_space<vmem>>, %arg6: memref<1x64xf32, #tpu.memory_space<vmem>>) attributes {dimension_semantics = [#tpu.dimension_semantics<arbitrary>], iteration_bounds = array<i64: 16>, scalar_prefetch = 0 : i64, scratch_operands = 1 : i64, tpu.core_type = #tpu.core_type<tc>, window_params = [{transform_indices = @transform_0, window_bounds = array<i64: 512, 768>}, {pipeline_mode = #tpu.pipeline_mode<synchronous>, transform_indices = @transform_1, window_bounds = array<i64: 768, 64>}, {transform_indices = @transform_2, window_bounds = array<i64: 1, 1, 512>}, {transform_indices = @transform_3, window_bounds = array<i64: 1, 1, 512>}, {pipeline_mode = #tpu.pipeline_mode<synchronous>, transform_indices = @transform_4, window_bounds = array<i64: 8, 64>}]} {
    %eq3A = arith.constant 0 : i32
    %eq3A_0 = arith.cmpi eq, %arg0, %eq3A : i32
    %convert_element_type3A = arith.extui %eq3A_0 : i1 to i32
    %cond3A = arith.constant 0 : i32
    %cond3A_1 = arith.cmpi ne, %convert_element_type3A, %cond3A : i32
    scf.if %cond3A_1 {
      %broadcast_in_dim3A_58 = arith.constant 0.000000e+00 : f32
      %broadcast_in_dim3A_59 = vector.broadcast %broadcast_in_dim3A_58 : f32 to vector<1x64xf32>
      %swap3A_60 = arith.constant 0 : index
      %swap3A_61 = arith.constant 0 : index
      %swap3A_62 = vector.load %arg6[%swap3A_60, %swap3A_61] : memref<1x64xf32, #tpu.memory_space<vmem>>, vector<1x64xf32>
      tpu.vector_store %arg6[%swap3A_60, %swap3A_61], %broadcast_in_dim3A_59 {strides = array<i32>} : memref<1x64xf32, #tpu.memory_space<vmem>>, vector<1x64xf32>,
    } else {
    }
    %get3A = arith.constant 0 : index
    %get3A_2 = arith.constant 0 : index
    %get3A_3 = vector.load %arg1[%get3A, %get3A_2] : memref<512x768xf32, #tpu.memory_space<vmem>>, vector<512x768xf32>
    %get3A_4 = arith.constant 0 : index
    %get3A_5 = arith.constant 0 : index
    %get3A_6 = vector.load %arg2[%get3A_4, %get3A_5] : memref<768x64xf32, #tpu.memory_space<vmem>>, vector<768x64xf32>
    %dot_general3A = arith.constant dense<0.000000e+00> : vector<512x64xf32>
    %dot_general3A_7 = tpu.matmul %get3A_3, %get3A_6, %dot_general3A {dimension_numbers = #tpu.dot_dimension_numbers<[1], [0], [0], [1], [0, 0, 1, 1], [], []>, transpose_lhs_hint = false} : vector<512x768xf32>, vector<768x64xf32>, vector<512x64xf32> -> vector<512x64xf32>
    %reduce_max3A = arith.constant dense<0xFF800000> : vector<512xf32>
    %reduce_max3A_8 = vector.multi_reduction <maximumf>, %dot_general3A_7, %reduce_max3A [1] : vector<512x64xf32> to vector<512xf32>
    %broadcast_in_dim3A = vector.shape_cast %reduce_max3A_8 : vector<512xf32> to vector<512x1xf32>
    %iota3A = tpu.iota {dimensions = array<i32: 1>} : vector<512x64xi32>
    %eq3A_9 = vector.broadcast %broadcast_in_dim3A : vector<512x1xf32> to vector<512x64xf32>
    %eq3A_10 = arith.cmpf oeq, %dot_general3A_7, %eq3A_9 : vector<512x64xf32>
    %jit3A = arith.constant 64 : i32
    %broadcast_in_dim3A_11 = vector.broadcast %jit3A : i32 to vector<512x64xi32>
    %select_n3A = arith.select %eq3A_10, %iota3A, %broadcast_in_dim3A_11 : vector<512x64xi1>, vector<512x64xi32>
    %reduce_min3A = arith.constant dense<2147483647> : vector<512xi32>
    %reduce_min3A_12 = vector.multi_reduction <minsi>, %select_n3A, %reduce_min3A [1] : vector<512x64xi32> to vector<512xi32>
    %swap3A = arith.constant 0 : index
    %swap3A_13 = arith.constant 0 : index
    %swap3A_14 = arith.constant 0 : index
    %swap3A_15 = vector.load %arg3[%swap3A, %swap3A_13, %swap3A_14] : memref<1x1x512xi32, #tpu.memory_space<vmem>>, vector<1x1x512xi32>
    %swap3A_16 = vector.shape_cast %swap3A_15 : vector<1x1x512xi32> to vector<512xi32>
    %swap3A_17 = vector.shape_cast %reduce_min3A_12 : vector<512xi32> to vector<1x1x512xi32>
    tpu.vector_store %arg3[%swap3A, %swap3A_13, %swap3A_14], %swap3A_17 {strides = array<i32>} : memref<1x1x512xi32, #tpu.memory_space<vmem>>, vector<1x1x512xi32>,
    %broadcast_in_dim3A_18 = vector.shape_cast %reduce_min3A_12 : vector<512xi32> to vector<512x1xi32>
    %eq3A_19 = vector.broadcast %broadcast_in_dim3A_18 : vector<512x1xi32> to vector<512x64xi32>
    %eq3A_20 = arith.cmpi eq, %iota3A, %eq3A_19 : vector<512x64xi32>
    %convert_element_type3A_21 = arith.extui %eq3A_20 : vector<512x64xi1> to vector<512x64xi32>
    %convert_element_type3A_22 = arith.sitofp %convert_element_type3A_21 : vector<512x64xi32> to vector<512x64xf32>
    %iota3A_23 = tpu.iota {dimensions = array<i32: 0>} : vector<512x512xi32>
    %iota3A_24 = tpu.iota {dimensions = array<i32: 1>} : vector<512x512xi32>
    %ge3A = arith.cmpi sge, %iota3A_23, %iota3A_24 : vector<512x512xi32>
    %convert_element_type3A_25 = arith.extui %ge3A : vector<512x512xi1> to vector<512x512xi32>
    %convert_element_type3A_26 = arith.sitofp %convert_element_type3A_25 : vector<512x512xi32> to vector<512x512xf32>
    %dot_general3A_27 = arith.constant dense<0.000000e+00> : vector<512x64xf32>
    %dot_general3A_28 = tpu.matmul %convert_element_type3A_26, %convert_element_type3A_22, %dot_general3A_27 {dimension_numbers = #tpu.dot_dimension_numbers<[1], [0], [0], [1], [0, 0, 1, 1], [], []>, transpose_lhs_hint = false} : vector<512x512xf32>, vector<512x64xf32>, vector<512x64xf32> -> vector<512x64xf32>
    %mul3A = arith.mulf %dot_general3A_28, %convert_element_type3A_22 : vector<512x64xf32>
    %reduce_sum3A = arith.constant dense<0.000000e+00> : vector<512xf32>
    %reduce_sum3A_29 = vector.multi_reduction <add>, %mul3A, %reduce_sum3A [1] : vector<512x64xf32> to vector<512xf32>
    %sub3A = arith.constant 1.000000e+00 : f32
    %sub3A_30 = vector.broadcast %sub3A : f32 to vector<512xf32>
    %sub3A_31 = arith.subf %reduce_sum3A_29, %sub3A_30 : vector<512xf32>
    %get3A_32 = arith.constant 0 : index
    %get3A_33 = arith.constant 0 : index
    %get3A_34 = vector.load %arg6[%get3A_32, %get3A_33] : memref<1x64xf32, #tpu.memory_space<vmem>>, vector<1x64xf32>
    %mul3A_35 = vector.broadcast %get3A_34 : vector<1x64xf32> to vector<512x64xf32>
    %mul3A_36 = arith.mulf %mul3A_35, %convert_element_type3A_22 : vector<512x64xf32>
    %reduce_sum3A_37 = arith.constant dense<0.000000e+00> : vector<512xf32>
    %reduce_sum3A_38 = vector.multi_reduction <add>, %mul3A_36, %reduce_sum3A_37 [1] : vector<512x64xf32> to vector<512xf32>
    %add3A = arith.addf %sub3A_31, %reduce_sum3A_38 : vector<512xf32>
    %convert_element_type3A_39 = arith.fptosi %add3A : vector<512xf32> to vector<512xi32>
    %swap3A_40 = arith.constant 0 : index
    %swap3A_41 = arith.constant 0 : index
    %swap3A_42 = arith.constant 0 : index
    %swap3A_43 = vector.load %arg4[%swap3A_40, %swap3A_41, %swap3A_42] : memref<1x1x512xi32, #tpu.memory_space<vmem>>, vector<1x1x512xi32>
    %swap3A_44 = vector.shape_cast %swap3A_43 : vector<1x1x512xi32> to vector<512xi32>
    %swap3A_45 = vector.shape_cast %convert_element_type3A_39 : vector<512xi32> to vector<1x1x512xi32>
    tpu.vector_store %arg4[%swap3A_40, %swap3A_41, %swap3A_42], %swap3A_45 {strides = array<i32>} : memref<1x1x512xi32, #tpu.memory_space<vmem>>, vector<1x1x512xi32>,
    %reduce_sum3A_46 = arith.constant dense<0.000000e+00> : vector<64xf32>
    %reduce_sum3A_47 = vector.multi_reduction <add>, %convert_element_type3A_22, %reduce_sum3A_46 [0] : vector<512x64xf32> to vector<64xf32>
    %broadcast_in_dim3A_48 = vector.shape_cast %reduce_sum3A_47 : vector<64xf32> to vector<1x64xf32>
    %add3A_49 = arith.addf %get3A_34, %broadcast_in_dim3A_48 : vector<1x64xf32>
    %swap3A_50 = arith.constant 0 : index
    %swap3A_51 = arith.constant 0 : index
    %swap3A_52 = vector.load %arg6[%swap3A_50, %swap3A_51] : memref<1x64xf32, #tpu.memory_space<vmem>>, vector<1x64xf32>
    tpu.vector_store %arg6[%swap3A_50, %swap3A_51], %add3A_49 {strides = array<i32>} : memref<1x64xf32, #tpu.memory_space<vmem>>, vector<1x64xf32>,
    %broadcast_in_dim3A_53 = vector.shape_cast %add3A_49 : vector<1x64xf32> to vector<1x64xf32>
    %broadcast_in_dim3A_54 = vector.broadcast %broadcast_in_dim3A_53 : vector<1x64xf32> to vector<8x64xf32>
    %swap3A_55 = arith.constant 0 : index
    %swap3A_56 = arith.constant 0 : index
    %swap3A_57 = vector.load %arg5[%swap3A_55, %swap3A_56] : memref<8x64xf32, #tpu.memory_space<vmem>>, vector<8x64xf32>
    tpu.vector_store %arg5[%swap3A_55, %swap3A_56], %broadcast_in_dim3A_54 {strides = array<i32>} : memref<8x64xf32, #tpu.memory_space<vmem>>, vector<8x64xf32>,
    return
  }
  func.func @transform_0(%arg0: i32) -> (i32, i32) {
    %c0_i32 = arith.constant 0 : i32
    %c0_i32_0 = arith.constant 0 : i32
    return %arg0, %c0_i32 : i32, i32
  }
  func.func @transform_1(%arg0: i32) -> (i32, i32) {
    %c0_i32 = arith.constant 0 : i32
    %c0_i32_0 = arith.constant 0 : i32
    %c0_i32_1 = arith.constant 0 : i32
    return %c0_i32, %c0_i32_0 : i32, i32
  }
  func.func @transform_2(%arg0: i32) -> (i32, i32, i32) {
    %jit3A = arith.constant 2 : i32
    %div3A = arith.divsi %arg0, %jit3A : i32
    %sign3A = arith.constant 0 : i32
    %sign3A_0 = arith.cmpi sgt, %arg0, %sign3A : i32
    %sign3A_1 = arith.extui %sign3A_0 : i1 to i32
    %sign3A_2 = arith.constant 0 : i32
    %sign3A_3 = arith.cmpi slt, %arg0, %sign3A_2 : i32
    %sign3A_4 = arith.extui %sign3A_3 : i1 to i32
    %sign3A_5 = arith.subi %sign3A_1, %sign3A_4 : i32
    %sign3A_6 = arith.constant 0 : i32
    %sign3A_7 = arith.cmpi sgt, %jit3A, %sign3A_6 : i32
    %sign3A_8 = arith.extui %sign3A_7 : i1 to i32
    %sign3A_9 = arith.constant 0 : i32
    %sign3A_10 = arith.cmpi slt, %jit3A, %sign3A_9 : i32
    %sign3A_11 = arith.extui %sign3A_10 : i1 to i32
    %sign3A_12 = arith.subi %sign3A_8, %sign3A_11 : i32
    %ne3A = arith.cmpi ne, %sign3A_5, %sign3A_12 : i32
    %rem3A = arith.remsi %arg0, %jit3A : i32
    %ne3A_13 = arith.constant 0 : i32
    %ne3A_14 = arith.cmpi ne, %rem3A, %ne3A_13 : i32
    %and3A = arith.andi %ne3A, %ne3A_14 : i1
    %sub3A = arith.constant 1 : i32
    %sub3A_15 = arith.subi %div3A, %sub3A : i32
    %select_n3A = arith.select %and3A, %sub3A_15, %div3A : i32
    %jit3A_16 = arith.constant 2 : i32
    %eq3A = arith.constant 0 : i32
    %eq3A_17 = arith.cmpi eq, %jit3A_16, %eq3A : i32
    %jit3A_18 = arith.constant 1 : i32
    %select_n3A_19 = arith.select %eq3A_17, %jit3A_18, %jit3A_16 : i32
    %rem3A_20 = arith.remsi %arg0, %select_n3A_19 : i32
    %ne3A_21 = arith.constant 0 : i32
    %ne3A_22 = arith.cmpi ne, %rem3A_20, %ne3A_21 : i32
    %lt3A = arith.constant 0 : i32
    %lt3A_23 = arith.cmpi slt, %rem3A_20, %lt3A : i32
    %lt3A_24 = arith.constant 0 : i32
    %lt3A_25 = arith.cmpi slt, %select_n3A_19, %lt3A_24 : i32
    %ne3A_26 = arith.xori %lt3A_23, %lt3A_25 : i1
    %and3A_27 = arith.andi %ne3A_26, %ne3A_22 : i1
    %add3A = arith.addi %rem3A_20, %select_n3A_19 : i32
    %select_n3A_28 = arith.select %and3A_27, %add3A, %rem3A_20 : i32
    %c0_i32 = arith.constant 0 : i32
    %c0_i32_29 = arith.constant 0 : i32
    return %select_n3A, %c0_i32, %select_n3A_28 : i32, i32, i32
  }
  func.func @transform_3(%arg0: i32) -> (i32, i32, i32) {
    %jit3A = arith.constant 2 : i32
    %div3A = arith.divsi %arg0, %jit3A : i32
    %sign3A = arith.constant 0 : i32
    %sign3A_0 = arith.cmpi sgt, %arg0, %sign3A : i32
    %sign3A_1 = arith.extui %sign3A_0 : i1 to i32
    %sign3A_2 = arith.constant 0 : i32
    %sign3A_3 = arith.cmpi slt, %arg0, %sign3A_2 : i32
    %sign3A_4 = arith.extui %sign3A_3 : i1 to i32
    %sign3A_5 = arith.subi %sign3A_1, %sign3A_4 : i32
    %sign3A_6 = arith.constant 0 : i32
    %sign3A_7 = arith.cmpi sgt, %jit3A, %sign3A_6 : i32
    %sign3A_8 = arith.extui %sign3A_7 : i1 to i32
    %sign3A_9 = arith.constant 0 : i32
    %sign3A_10 = arith.cmpi slt, %jit3A, %sign3A_9 : i32
    %sign3A_11 = arith.extui %sign3A_10 : i1 to i32
    %sign3A_12 = arith.subi %sign3A_8, %sign3A_11 : i32
    %ne3A = arith.cmpi ne, %sign3A_5, %sign3A_12 : i32
    %rem3A = arith.remsi %arg0, %jit3A : i32
    %ne3A_13 = arith.constant 0 : i32
    %ne3A_14 = arith.cmpi ne, %rem3A, %ne3A_13 : i32
    %and3A = arith.andi %ne3A, %ne3A_14 : i1
    %sub3A = arith.constant 1 : i32
    %sub3A_15 = arith.subi %div3A, %sub3A : i32
    %select_n3A = arith.select %and3A, %sub3A_15, %div3A : i32
    %jit3A_16 = arith.constant 2 : i32
    %eq3A = arith.constant 0 : i32
    %eq3A_17 = arith.cmpi eq, %jit3A_16, %eq3A : i32
    %jit3A_18 = arith.constant 1 : i32
    %select_n3A_19 = arith.select %eq3A_17, %jit3A_18, %jit3A_16 : i32
    %rem3A_20 = arith.remsi %arg0, %select_n3A_19 : i32
    %ne3A_21 = arith.constant 0 : i32
    %ne3A_22 = arith.cmpi ne, %rem3A_20, %ne3A_21 : i32
    %lt3A = arith.constant 0 : i32
    %lt3A_23 = arith.cmpi slt, %rem3A_20, %lt3A : i32
    %lt3A_24 = arith.constant 0 : i32
    %lt3A_25 = arith.cmpi slt, %select_n3A_19, %lt3A_24 : i32
    %ne3A_26 = arith.xori %lt3A_23, %lt3A_25 : i1
    %and3A_27 = arith.andi %ne3A_26, %ne3A_22 : i1
    %add3A = arith.addi %rem3A_20, %select_n3A_19 : i32
    %select_n3A_28 = arith.select %and3A_27, %add3A, %rem3A_20 : i32
    %c0_i32 = arith.constant 0 : i32
    %c0_i32_29 = arith.constant 0 : i32
    return %select_n3A, %c0_i32, %select_n3A_28 : i32, i32, i32
  }
  func.func @transform_4(%arg0: i32) -> (i32, i32) {
    %c0_i32 = arith.constant 0 : i32
    %c0_i32_0 = arith.constant 0 : i32
    %c0_i32_1 = arith.constant 0 : i32
    return %c0_i32, %c0_i32_0 : i32, i32
  }
}

module attributes {stable_mosaic.version = 14 : i64} {
  func.func @_dest_body(%arg0: i32, %arg1: memref<1x1x1024xi32, #tpu.memory_space<vmem>>, %arg2: memref<1x1x1024xi32, #tpu.memory_space<vmem>>, %arg3: memref<8x64xi32, #tpu.memory_space<vmem>>, %arg4: memref<8x64xi32, #tpu.memory_space<vmem>>, %arg5: memref<1x1x1024xi32, #tpu.memory_space<vmem>>, %arg6: memref<1x1x128xi32, #tpu.memory_space<vmem>>, %arg7: memref<1x1x128xi32, #tpu.memory_space<vmem>>, %arg8: memref<1x1x128xi32, #tpu.memory_space<vmem>>) attributes {dimension_semantics = [#tpu.dimension_semantics<arbitrary>], iteration_bounds = array<i64: 8>, scalar_prefetch = 0 : i64, scratch_operands = 0 : i64, tpu.core_type = #tpu.core_type<tc>, window_params = [{transform_indices = @transform_0, window_bounds = array<i64: 1, 1, 1024>}, {transform_indices = @transform_1, window_bounds = array<i64: 1, 1, 1024>}, {pipeline_mode = #tpu.pipeline_mode<synchronous>, transform_indices = @transform_2, window_bounds = array<i64: 8, 64>}, {pipeline_mode = #tpu.pipeline_mode<synchronous>, transform_indices = @transform_3, window_bounds = array<i64: 8, 64>}, {transform_indices = @transform_4, window_bounds = array<i64: 1, 1, 1024>}, {pipeline_mode = #tpu.pipeline_mode<synchronous>, transform_indices = @transform_5, window_bounds = array<i64: 1, 1, 128>}, {pipeline_mode = #tpu.pipeline_mode<synchronous>, transform_indices = @transform_6, window_bounds = array<i64: 1, 1, 128>}, {pipeline_mode = #tpu.pipeline_mode<synchronous>, transform_indices = @transform_7, window_bounds = array<i64: 1, 1, 128>}]} {
    %get3A = arith.constant 0 : index
    %get3A_0 = arith.constant 0 : index
    %get3A_1 = arith.constant 0 : index
    %get3A_2 = vector.load %arg1[%get3A, %get3A_0, %get3A_1] : memref<1x1x1024xi32, #tpu.memory_space<vmem>>, vector<1x1x1024xi32>
    %get3A_3 = vector.shape_cast %get3A_2 : vector<1x1x1024xi32> to vector<1024xi32>
    %iota3A = tpu.iota {dimensions = array<i32: 1>} : vector<1024x64xi32>
    %broadcast_in_dim3A = vector.shape_cast %get3A_3 : vector<1024xi32> to vector<1024x1xi32>
    %eq3A = vector.broadcast %broadcast_in_dim3A : vector<1024x1xi32> to vector<1024x64xi32>
    %eq3A_4 = arith.cmpi eq, %iota3A, %eq3A : vector<1024x64xi32>
    %get3A_5 = arith.constant 0 : index
    %get3A_6 = arith.constant 0 : index
    %get3A_7 = vector.load %arg3[%get3A_5, %get3A_6] : memref<8x64xi32, #tpu.memory_space<vmem>>, vector<8x64xi32>
    %slice3A = vector.extract_strided_slice %get3A_7 {offsets = [0, 0], sizes = [1, 64], strides = [1, 1]} : vector<8x64xi32> to vector<1x64xi32>
    %jit3A = arith.constant 0 : i32
    %broadcast_in_dim3A_8 = vector.shape_cast %slice3A : vector<1x64xi32> to vector<1x64xi32>
    %broadcast_in_dim3A_9 = vector.broadcast %broadcast_in_dim3A_8 : vector<1x64xi32> to vector<1024x64xi32>
    %broadcast_in_dim3A_10 = vector.broadcast %jit3A : i32 to vector<1024x64xi32>
    %select_n3A = arith.select %eq3A_4, %broadcast_in_dim3A_9, %broadcast_in_dim3A_10 : vector<1024x64xi1>, vector<1024x64xi32>
    %reduce_sum3A = arith.constant dense<0> : vector<1024xi32>
    %reduce_sum3A_11 = vector.multi_reduction <add>, %select_n3A, %reduce_sum3A [1] : vector<1024x64xi32> to vector<1024xi32>
    %get3A_12 = arith.constant 0 : index
    %get3A_13 = arith.constant 0 : index
    %get3A_14 = arith.constant 0 : index
    %get3A_15 = vector.load %arg2[%get3A_12, %get3A_13, %get3A_14] : memref<1x1x1024xi32, #tpu.memory_space<vmem>>, vector<1x1x1024xi32>
    %get3A_16 = vector.shape_cast %get3A_15 : vector<1x1x1024xi32> to vector<1024xi32>
    %add3A = arith.addi %reduce_sum3A_11, %get3A_16 : vector<1024xi32>
    %swap3A = arith.constant 0 : index
    %swap3A_17 = arith.constant 0 : index
    %swap3A_18 = arith.constant 0 : index
    %swap3A_19 = vector.load %arg5[%swap3A, %swap3A_17, %swap3A_18] : memref<1x1x1024xi32, #tpu.memory_space<vmem>>, vector<1x1x1024xi32>
    %swap3A_20 = vector.shape_cast %swap3A_19 : vector<1x1x1024xi32> to vector<1024xi32>
    %swap3A_21 = vector.shape_cast %add3A : vector<1024xi32> to vector<1x1x1024xi32>
    tpu.vector_store %arg5[%swap3A, %swap3A_17, %swap3A_18], %swap3A_21 {strides = array<i32>} : memref<1x1x1024xi32, #tpu.memory_space<vmem>>, vector<1x1x1024xi32>,
    %eq3A_22 = arith.constant 0 : i32
    %eq3A_23 = arith.cmpi eq, %arg0, %eq3A_22 : i32
    %convert_element_type3A = arith.extui %eq3A_23 : i1 to i32
    %cond3A = arith.constant 0 : i32
    %cond3A_24 = arith.cmpi ne, %convert_element_type3A, %cond3A : i32
    scf.if %cond3A_24 {
      %get3A_25 = arith.constant 0 : index
      %get3A_26 = arith.constant 0 : index
      %get3A_27 = vector.load %arg4[%get3A_25, %get3A_26] : memref<8x64xi32, #tpu.memory_space<vmem>>, vector<8x64xi32>
      %slice3A_28 = vector.extract_strided_slice %get3A_27 {offsets = [0, 0], sizes = [1, 64], strides = [1, 1]} : vector<8x64xi32> to vector<1x64xi32>
      %iota3A_29 = tpu.iota {dimensions = array<i32: 0>} : vector<128x64xi32>
      %le3A = vector.broadcast %slice3A_28 : vector<1x64xi32> to vector<128x64xi32>
      %le3A_30 = arith.cmpi sle, %le3A, %iota3A_29 : vector<128x64xi32>
      %convert_element_type3A_31 = arith.extui %le3A_30 : vector<128x64xi1> to vector<128x64xi32>
      %reduce_sum3A_32 = arith.constant dense<0> : vector<128xi32>
      %reduce_sum3A_33 = vector.multi_reduction <add>, %convert_element_type3A_31, %reduce_sum3A_32 [1] : vector<128x64xi32> to vector<128xi32>
      %min3A = arith.constant 63 : i32
      %min3A_34 = vector.broadcast %min3A : i32 to vector<128xi32>
      %min3A_35 = arith.minsi %reduce_sum3A_33, %min3A_34 : vector<128xi32>
      %swap3A_36 = arith.constant 0 : index
      %swap3A_37 = arith.constant 0 : index
      %swap3A_38 = arith.constant 0 : index
      %swap3A_39 = vector.load %arg6[%swap3A_36, %swap3A_37, %swap3A_38] : memref<1x1x128xi32, #tpu.memory_space<vmem>>, vector<1x1x128xi32>
      %swap3A_40 = vector.shape_cast %swap3A_39 : vector<1x1x128xi32> to vector<128xi32>
      %swap3A_41 = vector.shape_cast %min3A_35 : vector<128xi32> to vector<1x1x128xi32>
      tpu.vector_store %arg6[%swap3A_36, %swap3A_37, %swap3A_38], %swap3A_41 {strides = array<i32>} : memref<1x1x128xi32, #tpu.memory_space<vmem>>, vector<1x1x128xi32>,
      %reduce_max3A = arith.constant dense<-2147483648> : vector<1xi32>
      %reduce_max3A_42 = vector.multi_reduction <maxsi>, %slice3A_28, %reduce_max3A [1] : vector<1x64xi32> to vector<1xi32>
      %iota3A_43 = tpu.iota {dimensions = array<i32: 1>} : vector<1x128xi32>
      %iota3A_44 = vector.shape_cast %iota3A_43 : vector<1x128xi32> to vector<128xi32>
      %lt3A = vector.broadcast %reduce_max3A_42 : vector<1xi32> to vector<128xi32>
      %lt3A_45 = arith.cmpi slt, %iota3A_44, %lt3A : vector<128xi32>
      %convert_element_type3A_46 = arith.extui %lt3A_45 : vector<128xi1> to vector<128xi32>
      %swap3A_47 = arith.constant 0 : index
      %swap3A_48 = arith.constant 0 : index
      %swap3A_49 = arith.constant 0 : index
      %swap3A_50 = vector.load %arg7[%swap3A_47, %swap3A_48, %swap3A_49] : memref<1x1x128xi32, #tpu.memory_space<vmem>>, vector<1x1x128xi32>
      %swap3A_51 = vector.shape_cast %swap3A_50 : vector<1x1x128xi32> to vector<128xi32>
      %swap3A_52 = vector.shape_cast %convert_element_type3A_46 : vector<128xi32> to vector<1x1x128xi32>
      tpu.vector_store %arg7[%swap3A_47, %swap3A_48, %swap3A_49], %swap3A_52 {strides = array<i32>} : memref<1x1x128xi32, #tpu.memory_space<vmem>>, vector<1x1x128xi32>,
      %sub3A = arith.constant 1 : i32
      %sub3A_53 = vector.broadcast %sub3A : i32 to vector<1xi32>
      %sub3A_54 = arith.subi %reduce_max3A_42, %sub3A_53 : vector<1xi32>
      %min3A_55 = vector.broadcast %sub3A_54 : vector<1xi32> to vector<128xi32>
      %min3A_56 = arith.minsi %iota3A_44, %min3A_55 : vector<128xi32>
      %swap3A_57 = arith.constant 0 : index
      %swap3A_58 = arith.constant 0 : index
      %swap3A_59 = arith.constant 0 : index
      %swap3A_60 = vector.load %arg8[%swap3A_57, %swap3A_58, %swap3A_59] : memref<1x1x128xi32, #tpu.memory_space<vmem>>, vector<1x1x128xi32>
      %swap3A_61 = vector.shape_cast %swap3A_60 : vector<1x1x128xi32> to vector<128xi32>
      %swap3A_62 = vector.shape_cast %min3A_56 : vector<128xi32> to vector<1x1x128xi32>
      tpu.vector_store %arg8[%swap3A_57, %swap3A_58, %swap3A_59], %swap3A_62 {strides = array<i32>} : memref<1x1x128xi32, #tpu.memory_space<vmem>>, vector<1x1x128xi32>,
    } else {
    }
    return
  }
  func.func @transform_0(%arg0: i32) -> (i32, i32, i32) {
    %c0_i32 = arith.constant 0 : i32
    %c0_i32_0 = arith.constant 0 : i32
    %c0_i32_1 = arith.constant 0 : i32
    return %arg0, %c0_i32, %c0_i32_0 : i32, i32, i32
  }
  func.func @transform_1(%arg0: i32) -> (i32, i32, i32) {
    %c0_i32 = arith.constant 0 : i32
    %c0_i32_0 = arith.constant 0 : i32
    %c0_i32_1 = arith.constant 0 : i32
    return %arg0, %c0_i32, %c0_i32_0 : i32, i32, i32
  }
  func.func @transform_2(%arg0: i32) -> (i32, i32) {
    %c0_i32 = arith.constant 0 : i32
    %c0_i32_0 = arith.constant 0 : i32
    %c0_i32_1 = arith.constant 0 : i32
    return %c0_i32, %c0_i32_0 : i32, i32
  }
  func.func @transform_3(%arg0: i32) -> (i32, i32) {
    %c0_i32 = arith.constant 0 : i32
    %c0_i32_0 = arith.constant 0 : i32
    %c0_i32_1 = arith.constant 0 : i32
    return %c0_i32, %c0_i32_0 : i32, i32
  }
  func.func @transform_4(%arg0: i32) -> (i32, i32, i32) {
    %c0_i32 = arith.constant 0 : i32
    %c0_i32_0 = arith.constant 0 : i32
    %c0_i32_1 = arith.constant 0 : i32
    return %arg0, %c0_i32, %c0_i32_0 : i32, i32, i32
  }
  func.func @transform_5(%arg0: i32) -> (i32, i32, i32) {
    %c0_i32 = arith.constant 0 : i32
    %c0_i32_0 = arith.constant 0 : i32
    %c0_i32_1 = arith.constant 0 : i32
    %c0_i32_2 = arith.constant 0 : i32
    return %c0_i32, %c0_i32_0, %c0_i32_1 : i32, i32, i32
  }
  func.func @transform_6(%arg0: i32) -> (i32, i32, i32) {
    %c0_i32 = arith.constant 0 : i32
    %c0_i32_0 = arith.constant 0 : i32
    %c0_i32_1 = arith.constant 0 : i32
    %c0_i32_2 = arith.constant 0 : i32
    return %c0_i32, %c0_i32_0, %c0_i32_1 : i32, i32, i32
  }
  func.func @transform_7(%arg0: i32) -> (i32, i32, i32) {
    %c0_i32 = arith.constant 0 : i32
    %c0_i32_0 = arith.constant 0 : i32
    %c0_i32_1 = arith.constant 0 : i32
    %c0_i32_2 = arith.constant 0 : i32
    return %c0_i32, %c0_i32_0, %c0_i32_1 : i32, i32, i32
  }
}

module attributes {stable_mosaic.version = 14 : i64} {
  func.func @_ffn_body(%arg0: i32, %arg1: memref<128xi32, #tpu.memory_space<smem>>, %arg2: memref<128xi32, #tpu.memory_space<smem>>, %arg3: memref<128xi32, #tpu.memory_space<smem>>, %arg4: memref<128x768xf32, #tpu.memory_space<vmem>>, %arg5: memref<768x192xf32, #tpu.memory_space<vmem>>, %arg6: memref<192x768xf32, #tpu.memory_space<vmem>>, %arg7: memref<768x192xf32, #tpu.memory_space<vmem>>, %arg8: memref<192x768xf32, #tpu.memory_space<vmem>>, %arg9: memref<128x768xf32, #tpu.memory_space<vmem>>) attributes {dimension_semantics = [#tpu.dimension_semantics<arbitrary>], iteration_bounds = array<i64: 128>, scalar_prefetch = 3 : i64, scratch_operands = 0 : i64, tpu.core_type = #tpu.core_type<tc>, window_params = [{transform_indices = @transform_0, window_bounds = array<i64: 128, 768>}, {pipeline_mode = #tpu.pipeline_mode<synchronous>, transform_indices = @transform_1, window_bounds = array<i64: 768, 192>}, {pipeline_mode = #tpu.pipeline_mode<synchronous>, transform_indices = @transform_2, window_bounds = array<i64: 192, 768>}, {transform_indices = @transform_3, window_bounds = array<i64: 768, 192>}, {transform_indices = @transform_4, window_bounds = array<i64: 192, 768>}, {transform_indices = @transform_5, window_bounds = array<i64: 128, 768>}]} {
    %get3A = arith.index_cast %arg0 : i32 to index
    %get3A_0 = memref.load %arg2[%get3A] : memref<128xi32, #tpu.memory_space<smem>>
    %ne3A = arith.constant 0 : i32
    %ne3A_1 = arith.cmpi ne, %get3A_0, %ne3A : i32
    %convert_element_type3A = arith.extui %ne3A_1 : i1 to i32
    %cond3A = arith.constant 0 : i32
    %cond3A_2 = arith.cmpi ne, %convert_element_type3A, %cond3A : i32
    scf.if %cond3A_2 {
      %get3A_3 = arith.constant 0 : index
      %get3A_4 = arith.constant 0 : index
      %get3A_5 = vector.load %arg4[%get3A_3, %get3A_4] : memref<128x768xf32, #tpu.memory_space<vmem>>, vector<128x768xf32>
      %convert_element_type3A_6 = arith.truncf %get3A_5 : vector<128x768xf32> to vector<128x768xbf16>
      %get3A_7 = arith.constant 0 : index
      %get3A_8 = arith.constant 0 : index
      %get3A_9 = vector.load %arg5[%get3A_7, %get3A_8] : memref<768x192xf32, #tpu.memory_space<vmem>>, vector<768x192xf32>
      %convert_element_type3A_10 = arith.truncf %get3A_9 : vector<768x192xf32> to vector<768x192xbf16>
      %get3A_11 = arith.constant 0 : index
      %get3A_12 = arith.constant 0 : index
      %get3A_13 = vector.load %arg6[%get3A_11, %get3A_12] : memref<192x768xf32, #tpu.memory_space<vmem>>, vector<192x768xf32>
      %convert_element_type3A_14 = arith.truncf %get3A_13 : vector<192x768xf32> to vector<192x768xbf16>
      %get3A_15 = arith.constant 0 : index
      %get3A_16 = arith.constant 0 : index
      %get3A_17 = vector.load %arg7[%get3A_15, %get3A_16] : memref<768x192xf32, #tpu.memory_space<vmem>>, vector<768x192xf32>
      %convert_element_type3A_18 = arith.truncf %get3A_17 : vector<768x192xf32> to vector<768x192xbf16>
      %get3A_19 = arith.constant 0 : index
      %get3A_20 = arith.constant 0 : index
      %get3A_21 = vector.load %arg8[%get3A_19, %get3A_20] : memref<192x768xf32, #tpu.memory_space<vmem>>, vector<192x768xf32>
      %convert_element_type3A_22 = arith.truncf %get3A_21 : vector<192x768xf32> to vector<192x768xbf16>
      %dot_general3A = arith.constant dense<0.000000e+00> : vector<128x192xf32>
      %dot_general3A_23 = tpu.matmul %convert_element_type3A_6, %convert_element_type3A_10, %dot_general3A {dimension_numbers = #tpu.dot_dimension_numbers<[1], [0], [0], [1], [0, 0, 1, 1], [], []>, transpose_lhs_hint = false} : vector<128x768xbf16>, vector<768x192xbf16>, vector<128x192xf32> -> vector<128x192xf32>
      %max3A = arith.constant 0.000000e+00 : f32
      %max3A_24 = vector.broadcast %max3A : f32 to vector<128x192xf32>
      %max3A_25 = arith.maximumf %dot_general3A_23, %max3A_24 : vector<128x192xf32>
      %square3A = arith.mulf %max3A_25, %max3A_25 : vector<128x192xf32>
      %convert_element_type3A_26 = arith.truncf %square3A : vector<128x192xf32> to vector<128x192xbf16>
      %dot_general3A_27 = arith.constant dense<0.000000e+00> : vector<128x768xf32>
      %dot_general3A_28 = tpu.matmul %convert_element_type3A_26, %convert_element_type3A_14, %dot_general3A_27 {dimension_numbers = #tpu.dot_dimension_numbers<[1], [0], [0], [1], [0, 0, 1, 1], [], []>, transpose_lhs_hint = false} : vector<128x192xbf16>, vector<192x768xbf16>, vector<128x768xf32> -> vector<128x768xf32>
      %dot_general3A_29 = arith.constant dense<0.000000e+00> : vector<128x192xf32>
      %dot_general3A_30 = tpu.matmul %convert_element_type3A_6, %convert_element_type3A_18, %dot_general3A_29 {dimension_numbers = #tpu.dot_dimension_numbers<[1], [0], [0], [1], [0, 0, 1, 1], [], []>, transpose_lhs_hint = false} : vector<128x768xbf16>, vector<768x192xbf16>, vector<128x192xf32> -> vector<128x192xf32>
      %max3A_31 = arith.constant 0.000000e+00 : f32
      %max3A_32 = vector.broadcast %max3A_31 : f32 to vector<128x192xf32>
      %max3A_33 = arith.maximumf %dot_general3A_30, %max3A_32 : vector<128x192xf32>
      %square3A_34 = arith.mulf %max3A_33, %max3A_33 : vector<128x192xf32>
      %convert_element_type3A_35 = arith.truncf %square3A_34 : vector<128x192xf32> to vector<128x192xbf16>
      %dot_general3A_36 = arith.constant dense<0.000000e+00> : vector<128x768xf32>
      %dot_general3A_37 = tpu.matmul %convert_element_type3A_35, %convert_element_type3A_22, %dot_general3A_36 {dimension_numbers = #tpu.dot_dimension_numbers<[1], [0], [0], [1], [0, 0, 1, 1], [], []>, transpose_lhs_hint = false} : vector<128x192xbf16>, vector<192x768xbf16>, vector<128x768xf32> -> vector<128x768xf32>
      %add3A = arith.addf %dot_general3A_28, %dot_general3A_37 : vector<128x768xf32>
      %swap3A = arith.constant 0 : index
      %swap3A_38 = arith.constant 0 : index
      %swap3A_39 = vector.load %arg9[%swap3A, %swap3A_38] : memref<128x768xf32, #tpu.memory_space<vmem>>, vector<128x768xf32>
      tpu.vector_store %arg9[%swap3A, %swap3A_38], %add3A {strides = array<i32>} : memref<128x768xf32, #tpu.memory_space<vmem>>, vector<128x768xf32>,
    } else {
    }
    return
  }
  func.func @transform_0(%arg0: i32, %arg1: memref<128xi32, #tpu.memory_space<smem>>, %arg2: memref<128xi32, #tpu.memory_space<smem>>, %arg3: memref<128xi32, #tpu.memory_space<smem>>) -> (i32, i32) {
    %get3A = arith.index_cast %arg0 : i32 to index
    %get3A_0 = memref.load %arg2[%get3A] : memref<128xi32, #tpu.memory_space<smem>>
    %mul3A = arith.muli %get3A_0, %arg0 : i32
    %c0_i32 = arith.constant 0 : i32
    %c0_i32_1 = arith.constant 0 : i32
    return %mul3A, %c0_i32 : i32, i32
  }
  func.func @transform_1(%arg0: i32, %arg1: memref<128xi32, #tpu.memory_space<smem>>, %arg2: memref<128xi32, #tpu.memory_space<smem>>, %arg3: memref<128xi32, #tpu.memory_space<smem>>) -> (i32, i32) {
    %c0_i32 = arith.constant 0 : i32
    %c0_i32_0 = arith.constant 0 : i32
    %c0_i32_1 = arith.constant 0 : i32
    return %c0_i32, %c0_i32_0 : i32, i32
  }
  func.func @transform_2(%arg0: i32, %arg1: memref<128xi32, #tpu.memory_space<smem>>, %arg2: memref<128xi32, #tpu.memory_space<smem>>, %arg3: memref<128xi32, #tpu.memory_space<smem>>) -> (i32, i32) {
    %c0_i32 = arith.constant 0 : i32
    %c0_i32_0 = arith.constant 0 : i32
    %c0_i32_1 = arith.constant 0 : i32
    return %c0_i32, %c0_i32_0 : i32, i32
  }
  func.func @transform_3(%arg0: i32, %arg1: memref<128xi32, #tpu.memory_space<smem>>, %arg2: memref<128xi32, #tpu.memory_space<smem>>, %arg3: memref<128xi32, #tpu.memory_space<smem>>) -> (i32, i32) {
    %get3A = arith.index_cast %arg0 : i32 to index
    %get3A_0 = memref.load %arg1[%get3A] : memref<128xi32, #tpu.memory_space<smem>>
    %c0_i32 = arith.constant 0 : i32
    %c0_i32_1 = arith.constant 0 : i32
    return %get3A_0, %c0_i32 : i32, i32
  }
  func.func @transform_4(%arg0: i32, %arg1: memref<128xi32, #tpu.memory_space<smem>>, %arg2: memref<128xi32, #tpu.memory_space<smem>>, %arg3: memref<128xi32, #tpu.memory_space<smem>>) -> (i32, i32) {
    %get3A = arith.index_cast %arg0 : i32 to index
    %get3A_0 = memref.load %arg1[%get3A] : memref<128xi32, #tpu.memory_space<smem>>
    %c0_i32 = arith.constant 0 : i32
    %c0_i32_1 = arith.constant 0 : i32
    return %get3A_0, %c0_i32 : i32, i32
  }
  func.func @transform_5(%arg0: i32, %arg1: memref<128xi32, #tpu.memory_space<smem>>, %arg2: memref<128xi32, #tpu.memory_space<smem>>, %arg3: memref<128xi32, #tpu.memory_space<smem>>) -> (i32, i32) {
    %get3A = arith.index_cast %arg0 : i32 to index
    %get3A_0 = memref.load %arg3[%get3A] : memref<128xi32, #tpu.memory_space<smem>>
    %c0_i32 = arith.constant 0 : i32
    %c0_i32_1 = arith.constant 0 : i32
    return %get3A_0, %c0_i32 : i32, i32
  }
}

</mosaic_0001>

<sc_bundles>
// kernel: kernel.10.cloned.1.call-start
scs
__scs_entry_jumppad:
0x0: {  	(pc) =	sbr.rel $0x88, $3  }
0x1: {  	(tag) =	ssettag $0x0;
	lr =	simm.s32 $0x1  }
0x2: {  	[smem:$0x3F9B] =	sst lr;
	_ =	strace $0xD0000000  }
0x3: {  	_ = 	snop  }
0x4: {  	_ = 	snop  }
0x5: {  	_ = 	snop  }
0x6: {  	_ = 	snop  }
0x7: {  	_ = 	snop  }
__scs_overlays_trampoline_lowered:
0x8: {  	[smem:$0x3FAA] =	sst s0  }
0x9: {  	[smem:$0x3FAB] =	sst s1  }
0xa: {  	[smem:$0x3FAC] =	sst s2  }
0xb: {  	[smem:$0x3FAD] =	sst s3  }
0xc: {  	[smem:$0x3FAE] =	sst s4  }
0xd: {  	[smem:$0x3FAF] =	sst s5  }
0xe: {  	[smem:$0x3FB0] =	sst s6  }
0xf: {  	[smem:$0x3FB1] =	sst s7  }
0x10: {  	[smem:$0x3FB2] =	sst s8  }
0x11: {  	[smem:$0x3FB3] =	sst s9;
	s0 =	simm.s32 @!p0 $0x0  }
0x12: {  	s1 =	sld [smem:$0x3F99];
	s0 =	simm.s32 @p0 $0x1  }
0x13: {  	[smem:$0x3FB4] =	sst s0;
	s0 =	simm.s32 @!p1 $0x0  }
0x14: {  	s2 =	sld [smem:$0x3F98];
	s0 =	simm.s32 @p1 $0x1  }
0x15: {  	[smem:$0x3FB5] =	sst s0;
	s0 =	simm.s32 @!p2 $0x0  }
0x16: {  	s3 =	sld [smem:$0x3FDB];
	s0 =	simm.s32 @p2 $0x1  }
0x17: {  	s4 =	simm.s32 $0x1BF5;
	[smem:$0x3FB7] =	sst s0  }
0x18: {  	s0 =	sld [smem:$0x3F9A];
	_ =	swait.ge [sflag:s4], $0x0  }
0x19: {  	s7 =	sld [smem:$0x3F9B]  }
0x1a: {  	s8 =	sadd.s32 $0xFFFFE003, lr  }
0x1b: {  	s9 =	sadd.s32 $0xFFFFFEF7, lr;
	s5 =	simm.s32 $0xFFFFFFFF;
	p2 =	slt.u32 s8, $0xFFFFF086  }
0x1c: {  	p1 =	slt.u32 s9, $0xF7A;
	s5 =	simm.s32 @!p2 $0x0  }
0x1d: {  	s5 =	simm.s32 @p1 $0x1;
	p0 =	seq.s32 s7, s2  }
0x1e: {  	s7 =	smul.u32 @!p0 $0xF7A, s2;
	p2 =	seq.s32 @!p0 s5, $0x0  }
0x1f: {  	s9 =	smul.u32 $0xF7A, s1;
	s8 =	simm.s32 @!p0 $0x1BF5;
	p2 =	por !p2, p0  }
0x20: {  	[sflag:s8] =	ssyncset.s32 @!p0 $0xFFFFF086;
	s6 =	sadd.s32 @!p0 s3, s7;
	s7 =	simm.s32 @!p0 $0x108  }
0x21: {  	s3 =	sadd.s32 s3, s9;
	s6 =	sadd.s32 @!p0 $0x88, s6;
	s7 =	simm.s32 @p2 $0x1082  }
0x22: {  	[simem:s7], [sflag:s8] =	dma.local @!p0 [hbm:s6], $0xF7A  }
0x23: {  	s9 =	sor.u32 $0xD0000000, s2;
	s6 =	simm.s32 $0x108;
	_ =	swait.ge @!p0 [sflag:s8], $0x0  }
0x24: {  	s3 =	sadd.s32 $0x88, s3;
	s6 =	simm.s32 @!p1 $0x1082;
	[sflag:s4] =	ssyncset.s32 $0xFFFFF086  }
0x25: {  	[simem:s6], [sflag:s4] =	dma.local [hbm:s3], $0xF7A  }
0x26: {  	[smem:$0x3F9B] =	sst s1;
	(tag) =	ssettag s2;
	_ =	strace s9  }
0x27: {  	s1 =	sld [smem:$0x3FAB]  }
0x28: {  	s2 =	sld [smem:$0x3FAC]  }
0x29: {  	s4 =	sld [smem:$0x3FAE]  }
0x2a: {  	p0 =	seq.s32 s5, $0x0;
	s5 =	sld [smem:$0x3FAF]  }
0x2b: {  	s6 =	sld [smem:$0x3FB0]  }
0x2c: {  	s7 =	sld [smem:$0x3FB1]  }
0x2d: {  	s3 =	simm.s32 $0x108;
	s8 =	sld [smem:$0x3FB2]  }
0x2e: {  	s3 =	simm.s32 @!p0 $0x1082;
	s9 =	sld [smem:$0x3FB3]  }
0x2f: {  	lr =	sadd.s32 s0, s3;
	s0 =	sld [smem:$0x3FAA]  }
0x30: {  	s3 =	sld [smem:$0x3FAD]  }
0x31: {  	[smem:$0x3FB6] =	sst s10  }
0x32: {  	s10 =	sld [smem:$0x3FB4];
	_ =	sdelay $0x3  }
0x33: {  	p0 =	seq.s32 s10, $0x1;
	s10 =	sld [smem:$0x3FB6];
	_ =	sdelay $0x3  }
0x34: {  	[smem:$0x3FB6] =	sst s10  }
0x35: {  	s10 =	sld [smem:$0x3FB5];
	_ =	sdelay $0x3  }
0x36: {  	p1 =	seq.s32 s10, $0x1;
	s10 =	sld [smem:$0x3FB6];
	_ =	sdelay $0x3  }
0x37: {  	[smem:$0x3FB6] =	sst s10  }
0x38: {  	s10 =	sld [smem:$0x3FB7]  }
0x39: {  	_ = 	snop;
	(pc) =	sbr.ind lr, $3  }
0x3a: {  	_ = 	snop  }
0x3b: {  	_ = 	snop  }
0x3c: {  	p2 =	seq.s32 s10, $0x1;
	s10 =	sld [smem:$0x3FB6]  }
0x3d: {  	_ =	shalt  }
0x3e: {  	_ =	shalt  }
0x3f: {  	_ =	shalt  }
0x40: {  	_ =	shalt  }
0x41: {  	_ =	shalt  }
0x42: {  	_ =	shalt  }
0x43: {  	_ =	shalt  }
0x44: {  	_ =	shalt  }
0x45: {  	_ =	shalt  }
0x46: {  	_ =	shalt  }
0x47: {  	_ =	shalt  }
0x48: {  	_ =	shalt  }
0x49: {  	_ =	shalt  }
0x4a: {  	_ =	shalt  }
0x4b: {  	_ =	shalt  }
0x4c: {  	_ =	shalt  }
0x4d: {  	_ =	shalt  }
0x4e: {  	_ =	shalt  }
0x4f: {  	_ =	shalt  }
0x50: {  	_ =	shalt  }
0x51: {  	_ =	shalt  }
0x52: {  	_ =	shalt  }
0x53: {  	_ =	shalt  }
0x54: {  	_ =	shalt  }
0x55: {  	_ =	shalt  }
0x56: {  	_ =	shalt  }
0x57: {  	_ =	shalt  }
0x58: {  	_ =	shalt  }
0x59: {  	_ =	shalt  }
0x5a: {  	_ =	shalt  }
0x5b: {  	_ =	shalt  }
0x5c: {  	_ =	shalt  }
0x5d: {  	_ =	shalt  }
0x5e: {  	_ =	shalt  }
0x5f: {  	_ =	shalt  }
0x60: {  	_ =	shalt  }
0x61: {  	_ =	shalt  }
0x62: {  	_ =	shalt  }
0x63: {  	_ =	shalt  }
0x64: {  	_ =	shalt  }
0x65: {  	_ =	shalt  }
0x66: {  	_ =	shalt  }
0x67: {  	_ =	shalt  }
0x68: {  	_ =	shalt  }
0x69: {  	_ =	shalt  }
0x6a: {  	_ =	shalt  }
0x6b: {  	_ =	shalt  }
0x6c: {  	_ =	shalt  }
0x6d: {  	_ =	shalt  }
0x6e: {  	_ =	shalt  }
0x6f: {  	_ =	shalt  }
0x70: {  	_ =	shalt  }
0x71: {  	_ =	shalt  }
0x72: {  	_ =	shalt  }
0x73: {  	_ =	shalt  }
0x74: {  	_ =	shalt  }
0x75: {  	_ =	shalt  }
0x76: {  	_ =	shalt  }
0x77: {  	_ =	shalt  }
0x78: {  	_ =	shalt  }
0x79: {  	_ =	shalt  }
0x7a: {  	_ =	shalt  }
0x7b: {  	_ =	shalt  }
0x7c: {  	_ =	shalt  }
0x7d: {  	_ =	shalt  }
0x7e: {  	_ =	shalt  }
0x7f: {  	_ =	shalt  }
0x80: {  	_ =	shalt  }
0x81: {  	_ =	shalt  }
0x82: {  	_ =	shalt  }
0x83: {  	_ =	shalt  }
0x84: {  	_ =	shalt  }
0x85: {  	_ =	shalt  }
0x86: {  	_ =	shalt  }
0x87: {  	_ =	shalt  }
.Lfunc_end0:
.L_simem_size_0:
called_computation.1_lowered:
.L_overlay_start_0:
0x88: {  	s2 =	sld [smem:$0x3FD9]  }
0x89: {  	s3 =	sld [smem:$0x3FFE];
	_ =	sdelay $0x1  }
0x8a: {  	s1 =	srdreg.scid  }
0x8b: {  	s0 =	sand.u32 $0x1, s1  }
0x8c: {  	s17 =	sshll.u32 s0, $0xA;
	s2 =	sadd.s32 s3, s2  }
0x8d: {  	s2 =	sadd.s32 s2, s17  }
0x8e: {  	[smem:$0x3FC2] =	sst s2  }
0x8f: {  	_ = 	snop  }
0x90: {  	s2 =	sld [smem:$0x3FD0];
	(tm) =	ssettm $0x1  }
0x91: {  	s18 =	sld [smem:$0x3FFB];
	_ =	sdelay $0x3  }
0x92: {  	_ =	strace s18  }
0x93: {  	s3 =	sld [smem:$0x3FFC];
	_ =	sdelay $0x3  }
0x94: {  	_ =	strace s3  }
0x95: {  	s3 =	sld [smem:$0x3FFD];
	_ =	sdelay $0x3  }
0x96: {  	_ =	strace s3  }
0x97: {  	_ =	strace $0x8FFFFFFF  }
0x98: {  	s19 =	sld [smem:$0x3FDB];
	_ =	sdelay $0x1  }
0x99: {  	s4 =	simm.s32 $_scs_section_size  }
0x9a: {  	s5 =	simm.s32 $_size__tile_overlayer_lowered;
	s6 =	simm.s32 $_tile_overlayer_lowered  }
0x9b: {  	s22 =	simm.s32 $0x1BFF;
	s21 =	sshll.u32 s6, $0x1;
	s3 =	sadd.s32 s4, s19  }
0x9c: {  	s7 =	simm.s32 $0x0;
	s20 =	sshll.u32 s5, $0x1;
	s5 =	sadd.s32 s21, s3  }
0x9d: {  	[timem:s7], [sflag:s22] =	dma.local [hbm:s5], s20  }
0x9e: {  	_ =	swait.ge [sflag:s22], s20  }
0x9f: {  	s4 =	ssub.s32 $0x0, s20;
	[sflag:s22] =	ssyncset.done $0x0  }
0xa0: {  	[sflag:s22] =	ssyncadd.s32 s4;
	_ =	sdelay $0x1  }
0xa1: {  	s23 =	simm.s32 $0x1B8B  }
0xa2: {  	_ =	swait.ge [sflag:s23], $0x1  }
0xa3: {  	[sflag:s23] =	ssyncset.done $0x0  }
0xa4: {  	s25 =	simm.s32 $0x1B8E;
	s24 =	sld [smem:$0x3FFE];
	[sflag:s23] =	ssyncadd.s32 $0xFFFFFFFF  }
0xa5: {  	s26 =	simm.s32 $execute0_lowered;
	[smem:$0x3FD2] =	sst s25  }
0xa6: {  	s5 =	sshll.u32 s26, $0x1;
	_ =	strace $0x80000049;
	[dreg:$0x1] =	wrdreg $0xFFFFFFFF  }
0xa7: {  	s28 =	simm.s32 $_size_execute0_lowered;
	s3 =	sadd.s32 s3, s5;
	[dreg:$0x0] =	wrdreg $0x0  }
0xa8: {  	s5 =	sshll.u32 s28, $0x1;
	[dreg:$0x2] =	wrdreg s3  }
0xa9: {  	[dreg:$0x3] =	wrdreg s5  }
0xaa: {  	[dreg:$0x4] =	wrdreg $0xC0  }
0xab: {  	_ =	task [dreg:s7], $0x5FFFF  }
0xac: {  	[dreg:$0x1] =	wrdreg $0xFFFFFFFF  }
0xad: {  	[dreg:$0x0] =	wrdreg $0x60  }
0xae: {  	[dreg:$0x2] =	wrdreg s24  }
0xaf: {  	[dreg:$0x3] =	wrdreg s2  }
0xb0: {  	[dreg:$0x4] =	wrdreg $0x9  }
0xb1: {  	_ =	task.clear_ibuf [dreg:s7], $0x5FFFF;
	_ =	strace $0x90000049  }
0xb2: {  	s29 =	simm.s32 $0x9;
	_ =	strace $0x8000004B  }
0xb3: {  	_ =	swait.ge [sflag:s29], $0x1  }
0xb4: {  	[sflag:s29] =	ssyncadd.s32 $0xFFFFFFFF  }
0xb5: {  	_ =	strace $0x9000004B  }
0xb6: {  	_ =	sfence  }
0xb7: {  	s30 =	sld [smem:$0x0];
	_ =	sdelay $0x2  }
0xb8: {  	s31 =	sshll.u32 s1, $0xD;
	s1 =	sshrl.u32 s1, $0x2  }
0xb9: {  	s3 =	sand.u32 $0x4000, s31;
	s1 =	sadd.s32 s1, s30  }
0xba: {  	s0 =	sor.u32 s3, s0;
	s1 =	sshll.u32 s1, $0x11  }
0xbb: {  	s0 =	sor.u32 s1, s0  }
0xbc: {  	s0 =	sadd.s32 $0x8F2B, s0  }
0xbd: {  	[sflag:s0] =	ssyncadd.remote.s32 $0x1  }
0xbe: {  	_ =	sfence.sel $0xFFFF  }
0xbf: {  	[dreg:$0x0] =	wrdreg $0xFFFFFFFF;
	(pc) =	sbr.abs _section_cstart, $3  }
0xc0: {  	[dreg:$0x1] =	wrdreg $0xFFFFFFFF  }
0xc1: {  	_ =	task.clear_ibuf [dreg:s7], $0x2FFFF;
	_ =	strace $0x9FFFFFFF  }
0xc2: {  	(tm) =	ssettm $0x7FFFFFFF  }
0xc3: {  	_ =	shalt  }
tec
execute0_lowered:
.L_overlay_start_1:
0x0: {  	(tag) =	ssettag $0x1  }
0x1: {  	s0 =	rddreg [dreg:$0x0]  }
0x2: {  	s1 =	srdreg.scid;
	s2 =	stileid.u32  }
0x3: {  	s4 =	rddreg [dreg:$0x1];
	s11 =	simm.s32 $0x2;
	s13 =	simm.s32 $0xA00  }
0x4: {  	s14 =	simm.s32 $0x1200;
	s15 =	simm.s32 $0x1A00;
	s16 =	simm.s32 $0x2200  }
0x5: {  	s17 =	simm.s32 $0x2A00;
	s18 =	simm.s32 $0x3200;
	s19 =	simm.s32 $0x3A00  }
0x6: {  	s20 =	simm.s32 $0x4200;
	s21 =	simm.s32 $0x4A00;
	s22 =	simm.s32 $0x5200  }
0x7: {  	s23 =	simm.s32 $0x5A00;
	s24 =	simm.s32 $0x6200;
	s28 =	simm.s32 $0x7A00  }
0x8: {  	s29 =	simm.s32 $0x8200;
	s30 =	simm.s32 $0x8A00;
	s31 =	simm.s32 $0x9200  }
0x9: {  	s1 =	sand.u32 $0x1, s1;
	s3 =	sshll.u32 s2, $0x1;
	s2 =	simm.s32 $0x0  }
0xa: {  	s10 =	simm.s32 $0xBA00;
	s5 =	sor.u32 s1, s3;
	[smem:$0x7FF] =	sst s2  }
0xb: {  	s1 =	ssub.s32 $0x2, s1;
	s3 =	sadd.s32 $0x300800, s0;
	s6 =	smul.u32 $0x6000, s5  }
0xc: {  	s7 =	smul.u32 $0x30000, s5;
	s8 =	sshrl.u32 s1, $0x1;
	s5 =	sshll.u32 s5, $0x6  }
0xd: {  	_ =	strace $0x8000004A;
	s5 =	sadd.s32 s0, s5;
	s1 =	ssub.s32 s1, s8  }
0xe: {  	s9 =	sadd.s32 s4, s6;
	s25 =	sshrl.u32 s7, $0x3;
	[dreg:$0x3] =	wrdreg s5  }
0xf: {  	s5 =	sadd.s32 $0x300900, s0;
	s7 =	smax.u32 s1, $0x1;
	[dreg:$0x7] =	wrdreg s9  }
0x10: {  	s26 =	sadd.s32 $0x1800, s9;
	s4 =	sadd.s32 s4, s25;
	s25 =	simm.s32 $0x6A00  }
0x11: {  	v2 =	vlaneseq.u32;
	s9 =	simm.s32 $0xB200;
	[dreg:$0x4] =	wrdreg s26;
	s6 =	sadd.s32 $0x3000, s4  }
0x12: {  	vm0 =	vmmov $0xffff;
	v1 =	vshrl.u32 v2, $0x3;
	s4 =	sadd.s32 $0x4800, s4;
	s26 =	simm.s32 $0x7200;
	[dreg:$0x5] =	wrdreg s6  }
0x13: {  	v0 =	vand.u32 $0x7, v2;
	v2 =	vor.u32 $0x8, v2;
	v1 =	vmul.u32 $0x8, v1;
	s6 =	sadd.s32 $0x300A00, s0;
	[dreg:$0x6] =	wrdreg s4;
	s4 =	simm.s32 $0x1  }
.LBB2_1:
0x14: {  	s12 =	rddreg [dreg:$0x3];
	s0 =	simm.s32 $0x3  }
0x15: {  	[tilespmem:s2], [sflag:$0x3] =	stream.linear.gather [hbm4b:s12+s2], $0x200, $0x38;
	[tilespmem:$0x18200] =	vst v63  }
0x16: {  	_ =	swait.ge [sflag:s0], $0x200  }
0x17: {  	[sflag:s0] =	ssyncset.done $0x0  }
0x18: {  	[sflag:s0] =	ssyncadd.s32 $0xFFFFFE00  }
0x19: {  	v3 =	vld [tilespmem:$0x0];
	_ =	sdelay $0x4  }
0x1a: {  	v4 =	vshrl.u32 v3, $0x3  }
0x1b: {  	v4 =	vmul.u32 $0x30, v4  }
0x1c: {  	v3 =	vand.u32 $0x7, v3  }
0x1d: {  	v3 =	vor.u32 v3, v4  }
0x1e: {  	v4 =	vperm.xlane v3, v0;
	_ =	sdelay $0x1  }
0x1f: {  	v4 =	vadd.s32 v1, v4;
	_ =	sdelay $0x3  }
0x20: {  	s8 =	simm.s32 $0x200;
	v3 =	vperm.xlane v3, v2  }
0x21: {  	[tilespmem:s8], [sflag:$0x1] =	stream.indirect_vreg.gather [hbm4b:s3+s2], $0x80, v4, vm0, $0xb8;
	[tilespmem:$0x18200] =	vst v63  }
0x22: {  	v3 =	vadd.s32 v1, v3  }
0x23: {  	[tilespmem:s13], [sflag:$0x1] =	stream.indirect_vreg.gather [hbm4b:s5+s2], $0x80, v4, vm0, $0xb8;
	[tilespmem:$0x18200] =	vst v63  }
0x24: {  	_ = 	snop  }
0x25: {  	[tilespmem:s14], [sflag:$0x1] =	stream.indirect_vreg.gather [hbm4b:s6+s2], $0x80, v4, vm0, $0xb8;
	[tilespmem:$0x18200] =	vst v63  }
0x26: {  	_ = 	snop  }
0x27: {  	[tilespmem:s15], [sflag:$0x1] =	stream.indirect_vreg.gather [hbm4b:s3+s2], $0x80, v3, vm0, $0xb8;
	[tilespmem:$0x18200] =	vst v63  }
0x28: {  	_ = 	snop  }
0x29: {  	[tilespmem:s16], [sflag:$0x1] =	stream.indirect_vreg.gather [hbm4b:s5+s2], $0x80, v3, vm0, $0xb8;
	[tilespmem:$0x18200] =	vst v63  }
0x2a: {  	_ = 	snop  }
0x2b: {  	[tilespmem:s17], [sflag:$0x1] =	stream.indirect_vreg.gather [hbm4b:s6+s2], $0x80, v3, vm0, $0xb8;
	[tilespmem:$0x18200] =	vst v63  }
0x2c: {  	v3 =	vld [tilespmem:$0x10];
	_ =	sdelay $0x4  }
0x2d: {  	v49 =	vshrl.u32 v3, $0x3  }
0x2e: {  	v4 =	vmul.u32 $0x30, v49  }
0x2f: {  	v3 =	vand.u32 $0x7, v3  }
0x30: {  	v3 =	vor.u32 v3, v4  }
0x31: {  	v4 =	vperm.xlane v3, v0;
	_ =	sdelay $0x1  }
0x32: {  	v4 =	vadd.s32 v1, v4;
	_ =	sdelay $0x3  }
0x33: {  	v3 =	vperm.xlane v3, v2  }
0x34: {  	[tilespmem:s18], [sflag:$0x1] =	stream.indirect_vreg.gather [hbm4b:s3+s2], $0x80, v4, vm0, $0xb8;
	[tilespmem:$0x18200] =	vst v63  }
0x35: {  	v3 =	vadd.s32 v1, v3  }
0x36: {  	[tilespmem:s19], [sflag:$0x1] =	stream.indirect_vreg.gather [hbm4b:s5+s2], $0x80, v4, vm0, $0xb8;
	[tilespmem:$0x18200] =	vst v63  }
0x37: {  	_ = 	snop  }
0x38: {  	[tilespmem:s20], [sflag:$0x1] =	stream.indirect_vreg.gather [hbm4b:s6+s2], $0x80, v4, vm0, $0xb8;
	[tilespmem:$0x18200] =	vst v63  }
0x39: {  	_ = 	snop  }
0x3a: {  	[tilespmem:s21], [sflag:$0x1] =	stream.indirect_vreg.gather [hbm4b:s3+s2], $0x80, v3, vm0, $0xb8;
	[tilespmem:$0x18200] =	vst v63  }
0x3b: {  	_ = 	snop  }
0x3c: {  	[tilespmem:s22], [sflag:$0x1] =	stream.indirect_vreg.gather [hbm4b:s5+s2], $0x80, v3, vm0, $0xb8;
	[tilespmem:$0x18200] =	vst v63  }
0x3d: {  	_ = 	snop  }
0x3e: {  	[tilespmem:s23], [sflag:$0x1] =	stream.indirect_vreg.gather [hbm4b:s6+s2], $0x80, v3, vm0, $0xb8;
	[tilespmem:$0x18200] =	vst v63  }
0x3f: {  	v3 =	vld [tilespmem:$0x20];
	_ =	sdelay $0x4  }
0x40: {  	v50 =	vshrl.u32 v3, $0x3  }
0x41: {  	v4 =	vmul.u32 $0x30, v50  }
0x42: {  	v3 =	vand.u32 $0x7, v3  }
0x43: {  	v3 =	vor.u32 v3, v4  }
0x44: {  	v4 =	vperm.xlane v3, v0;
	_ =	sdelay $0x1  }
0x45: {  	v4 =	vadd.s32 v1, v4;
	_ =	sdelay $0x3  }
0x46: {  	v3 =	vperm.xlane v3, v2  }
0x47: {  	[tilespmem:s24], [sflag:$0x1] =	stream.indirect_vreg.gather [hbm4b:s3+s2], $0x80, v4, vm0, $0xb8;
	[tilespmem:$0x18200] =	vst v63  }
0x48: {  	v3 =	vadd.s32 v1, v3  }
0x49: {  	[tilespmem:s25], [sflag:$0x1] =	stream.indirect_vreg.gather [hbm4b:s5+s2], $0x80, v4, vm0, $0xb8;
	[tilespmem:$0x18200] =	vst v63  }
0x4a: {  	_ = 	snop  }
0x4b: {  	[tilespmem:s26], [sflag:$0x1] =	stream.indirect_vreg.gather [hbm4b:s6+s2], $0x80, v4, vm0, $0xb8;
	[tilespmem:$0x18200] =	vst v63  }
0x4c: {  	_ = 	snop  }
0x4d: {  	[tilespmem:s28], [sflag:$0x1] =	stream.indirect_vreg.gather [hbm4b:s3+s2], $0x80, v3, vm0, $0xb8;
	[tilespmem:$0x18200] =	vst v63  }
0x4e: {  	_ = 	snop  }
0x4f: {  	[tilespmem:s29], [sflag:$0x1] =	stream.indirect_vreg.gather [hbm4b:s5+s2], $0x80, v3, vm0, $0xb8;
	[tilespmem:$0x18200] =	vst v63  }
0x50: {  	_ = 	snop  }
0x51: {  	[tilespmem:s30], [sflag:$0x1] =	stream.indirect_vreg.gather [hbm4b:s6+s2], $0x80, v3, vm0, $0xb8;
	[tilespmem:$0x18200] =	vst v63  }
0x52: {  	v3 =	vld [tilespmem:$0x30];
	_ =	sdelay $0x4  }
0x53: {  	v51 =	vshrl.u32 v3, $0x3  }
0x54: {  	v4 =	vmul.u32 $0x30, v51  }
0x55: {  	v3 =	vand.u32 $0x7, v3  }
0x56: {  	v3 =	vor.u32 v3, v4  }
0x57: {  	v4 =	vperm.xlane v3, v0;
	_ =	sdelay $0x1  }
0x58: {  	v4 =	vadd.s32 v1, v4;
	_ =	sdelay $0x3  }
0x59: {  	v3 =	vperm.xlane v3, v2  }
0x5a: {  	[tilespmem:s31], [sflag:$0x1] =	stream.indirect_vreg.gather [hbm4b:s3+s2], $0x80, v4, vm0, $0xb8;
	[tilespmem:$0x18200] =	vst v63  }
0x5b: {  	s12 =	simm.s32 $0x9A00;
	v3 =	vadd.s32 v1, v3  }
0x5c: {  	[tilespmem:s12], [sflag:$0x1] =	stream.indirect_vreg.gather [hbm4b:s5+s2], $0x80, v4, vm0, $0xb8;
	[tilespmem:$0x18200] =	vst v63  }
0x5d: {  	s8 =	simm.s32 $0xA200  }
0x5e: {  	[tilespmem:s8], [sflag:$0x1] =	stream.indirect_vreg.gather [hbm4b:s6+s2], $0x80, v4, vm0, $0xb8;
	[tilespmem:$0x18200] =	vst v63  }
0x5f: {  	s8 =	simm.s32 $0xAA00  }
0x60: {  	[tilespmem:s8], [sflag:$0x1] =	stream.indirect_vreg.gather [hbm4b:s3+s2], $0x80, v3, vm0, $0xb8;
	[tilespmem:$0x18200] =	vst v63  }
0x61: {  	_ = 	snop  }
0x62: {  	[tilespmem:s9], [sflag:$0x1] =	stream.indirect_vreg.gather [hbm4b:s5+s2], $0x80, v3, vm0, $0xb8;
	[tilespmem:$0x18200] =	vst v63  }
0x63: {  	_ = 	snop  }
0x64: {  	[tilespmem:s10], [sflag:$0x1] =	stream.indirect_vreg.gather [hbm4b:s6+s2], $0x80, v3, vm0, $0xb8;
	[tilespmem:$0x18200] =	vst v63  }
0x65: {  	v3 =	vld [tilespmem:$0x80];
	_ =	sdelay $0x4  }
0x66: {  	v52 =	vshrl.u32 v3, $0x3  }
0x67: {  	v4 =	vmul.u32 $0x30, v52  }
0x68: {  	v3 =	vand.u32 $0x7, v3  }
0x69: {  	v3 =	vor.u32 v3, v4  }
0x6a: {  	v4 =	vperm.xlane v3, v0;
	_ =	sdelay $0x1  }
0x6b: {  	v4 =	vadd.s32 v1, v4;
	_ =	sdelay $0x3  }
0x6c: {  	s0 =	simm.s32 $0xC200;
	v3 =	vperm.xlane v3, v2  }
0x6d: {  	[tilespmem:s0], [sflag:$0x1] =	stream.indirect_vreg.gather [hbm4b:s3+s2], $0x80, v4, vm0, $0xb8;
	[tilespmem:$0x18200] =	vst v63  }
0x6e: {  	s12 =	simm.s32 $0xCA00;
	v3 =	vadd.s32 v1, v3  }
0x6f: {  	[tilespmem:s12], [sflag:$0x1] =	stream.indirect_vreg.gather [hbm4b:s5+s2], $0x80, v4, vm0, $0xb8;
	[tilespmem:$0x18200] =	vst v63  }
0x70: {  	s12 =	simm.s32 $0xD200  }
0x71: {  	[tilespmem:s12], [sflag:$0x1] =	stream.indirect_vreg.gather [hbm4b:s6+s2], $0x80, v4, vm0, $0xb8;
	[tilespmem:$0x18200] =	vst v63  }
0x72: {  	s12 =	simm.s32 $0xDA00  }
0x73: {  	[tilespmem:s12], [sflag:$0x1] =	stream.indirect_vreg.gather [hbm4b:s3+s2], $0x80, v3, vm0, $0xb8;
	[tilespmem:$0x18200] =	vst v63  }
0x74: {  	s12 =	simm.s32 $0xE200  }
0x75: {  	[tilespmem:s12], [sflag:$0x1] =	stream.indirect_vreg.gather [hbm4b:s5+s2], $0x80, v3, vm0, $0xb8;
	[tilespmem:$0x18200] =	vst v63  }
0x76: {  	s12 =	simm.s32 $0xEA00  }
0x77: {  	[tilespmem:s12], [sflag:$0x1] =	stream.indirect_vreg.gather [hbm4b:s6+s2], $0x80, v3, vm0, $0xb8;
	[tilespmem:$0x18200] =	vst v63  }
0x78: {  	v3 =	vld [tilespmem:$0x90];
	_ =	sdelay $0x4  }
0x79: {  	v53 =	vshrl.u32 v3, $0x3  }
0x7a: {  	v4 =	vmul.u32 $0x30, v53  }
0x7b: {  	v3 =	vand.u32 $0x7, v3  }
0x7c: {  	v3 =	vor.u32 v3, v4  }
0x7d: {  	v4 =	vperm.xlane v3, v0;
	_ =	sdelay $0x1  }
0x7e: {  	v4 =	vadd.s32 v1, v4;
	_ =	sdelay $0x3  }
0x7f: {  	s12 =	simm.s32 $0xF200;
	v3 =	vperm.xlane v3, v2  }
0x80: {  	[tilespmem:s12], [sflag:$0x1] =	stream.indirect_vreg.gather [hbm4b:s3+s2], $0x80, v4, vm0, $0xb8;
	[tilespmem:$0x18200] =	vst v63  }
0x81: {  	v3 =	vadd.s32 v1, v3;
	s12 =	simm.s32 $0xFA00  }
0x82: {  	[tilespmem:s12], [sflag:$0x1] =	stream.indirect_vreg.gather [hbm4b:s5+s2], $0x80, v4, vm0, $0xb8;
	[tilespmem:$0x18200] =	vst v63  }
0x83: {  	s12 =	simm.s32 $0x10200  }
0x84: {  	[tilespmem:s12], [sflag:$0x1] =	stream.indirect_vreg.gather [hbm4b:s6+s2], $0x80, v4, vm0, $0xb8;
	[tilespmem:$0x18200] =	vst v63  }
0x85: {  	s12 =	simm.s32 $0x10A00  }
0x86: {  	[tilespmem:s12], [sflag:$0x1] =	stream.indirect_vreg.gather [hbm4b:s3+s2], $0x80, v3, vm0, $0xb8;
	[tilespmem:$0x18200] =	vst v63  }
0x87: {  	s12 =	simm.s32 $0x11200  }
0x88: {  	[tilespmem:s12], [sflag:$0x1] =	stream.indirect_vreg.gather [hbm4b:s5+s2], $0x80, v3, vm0, $0xb8;
	[tilespmem:$0x18200] =	vst v63  }
0x89: {  	s12 =	simm.s32 $0x11A00  }
0x8a: {  	[tilespmem:s12], [sflag:$0x1] =	stream.indirect_vreg.gather [hbm4b:s6+s2], $0x80, v3, vm0, $0xb8;
	[tilespmem:$0x18200] =	vst v63  }
0x8b: {  	v3 =	vld [tilespmem:$0xA0];
	_ =	sdelay $0x4  }
0x8c: {  	v54 =	vshrl.u32 v3, $0x3  }
0x8d: {  	v4 =	vmul.u32 $0x30, v54  }
0x8e: {  	v3 =	vand.u32 $0x7, v3  }
0x8f: {  	v3 =	vor.u32 v3, v4  }
0x90: {  	v4 =	vperm.xlane v3, v0;
	_ =	sdelay $0x1  }
0x91: {  	v4 =	vadd.s32 v1, v4;
	_ =	sdelay $0x3  }
0x92: {  	s12 =	simm.s32 $0x12200;
	v3 =	vperm.xlane v3, v2  }
0x93: {  	[tilespmem:s12], [sflag:$0x1] =	stream.indirect_vreg.gather [hbm4b:s3+s2], $0x80, v4, vm0, $0xb8;
	[tilespmem:$0x18200] =	vst v63  }
0x94: {  	v3 =	vadd.s32 v1, v3;
	s12 =	simm.s32 $0x12A00  }
0x95: {  	[tilespmem:s12], [sflag:$0x1] =	stream.indirect_vreg.gather [hbm4b:s5+s2], $0x80, v4, vm0, $0xb8;
	[tilespmem:$0x18200] =	vst v63  }
0x96: {  	s12 =	simm.s32 $0x13200  }
0x97: {  	[tilespmem:s12], [sflag:$0x1] =	stream.indirect_vreg.gather [hbm4b:s6+s2], $0x80, v4, vm0, $0xb8;
	[tilespmem:$0x18200] =	vst v63  }
0x98: {  	s12 =	simm.s32 $0x13A00  }
0x99: {  	[tilespmem:s12], [sflag:$0x1] =	stream.indirect_vreg.gather [hbm4b:s3+s2], $0x80, v3, vm0, $0xb8;
	[tilespmem:$0x18200] =	vst v63  }
0x9a: {  	s12 =	simm.s32 $0x14200  }
0x9b: {  	[tilespmem:s12], [sflag:$0x1] =	stream.indirect_vreg.gather [hbm4b:s5+s2], $0x80, v3, vm0, $0xb8;
	[tilespmem:$0x18200] =	vst v63  }
0x9c: {  	s12 =	simm.s32 $0x14A00  }
0x9d: {  	[tilespmem:s12], [sflag:$0x1] =	stream.indirect_vreg.gather [hbm4b:s6+s2], $0x80, v3, vm0, $0xb8;
	[tilespmem:$0x18200] =	vst v63  }
0x9e: {  	v3 =	vld [tilespmem:$0xB0];
	_ =	sdelay $0x4  }
0x9f: {  	v55 =	vshrl.u32 v3, $0x3  }
0xa0: {  	v4 =	vmul.u32 $0x30, v55  }
0xa1: {  	v3 =	vand.u32 $0x7, v3  }
0xa2: {  	v3 =	vor.u32 v3, v4  }
0xa3: {  	v4 =	vperm.xlane v3, v0;
	_ =	sdelay $0x1  }
0xa4: {  	v4 =	vadd.s32 v1, v4;
	_ =	sdelay $0x3  }
0xa5: {  	s12 =	simm.s32 $0x15200;
	v3 =	vperm.xlane v3, v2  }
0xa6: {  	[tilespmem:s12], [sflag:$0x1] =	stream.indirect_vreg.gather [hbm4b:s3+s2], $0x80, v4, vm0, $0xb8;
	[tilespmem:$0x18200] =	vst v63  }
0xa7: {  	v3 =	vadd.s32 v1, v3;
	s12 =	simm.s32 $0x15A00  }
0xa8: {  	[tilespmem:s12], [sflag:$0x1] =	stream.indirect_vreg.gather [hbm4b:s5+s2], $0x80, v4, vm0, $0xb8;
	[tilespmem:$0x18200] =	vst v63  }
0xa9: {  	s12 =	simm.s32 $0x16200  }
0xaa: {  	[tilespmem:s12], [sflag:$0x1] =	stream.indirect_vreg.gather [hbm4b:s6+s2], $0x80, v4, vm0, $0xb8;
	[tilespmem:$0x18200] =	vst v63  }
0xab: {  	s12 =	simm.s32 $0x16A00  }
0xac: {  	[tilespmem:s12], [sflag:$0x1] =	stream.indirect_vreg.gather [hbm4b:s3+s2], $0x80, v3, vm0, $0xb8;
	[tilespmem:$0x18200] =	vst v63  }
0xad: {  	s12 =	simm.s32 $0x17200  }
0xae: {  	[tilespmem:s12], [sflag:$0x1] =	stream.indirect_vreg.gather [hbm4b:s5+s2], $0x80, v3, vm0, $0xb8;
	[tilespmem:$0x18200] =	vst v63  }
0xaf: {  	s12 =	simm.s32 $0x17A00  }
0xb0: {  	[tilespmem:s12], [sflag:$0x1] =	stream.indirect_vreg.gather [hbm4b:s6+s2], $0x80, v3, vm0, $0xb8;
	[tilespmem:$0x18200] =	vst v63  }
0xb1: {  	_ =	swait.ge [sflag:s4], $0xC000  }
0xb2: {  	[sflag:s4] =	ssyncset.done $0x0  }
0xb3: {  	s1 =	simm.s32 $0x200;
	s12 =	rddreg [dreg:$0x7];
	[sflag:s4] =	ssyncadd.s32 $0xFFFF4000  }
0xb4: {  	[hbm4b:s12+s2] =	stream.linear.scatter [tilespmem:s1], [sflag:$0x2], $0xC000, $0x38;
	[tilespmem:$0x18200] =	vst v63  }
0xb5: {  	_ =	swait.ge [sflag:s4], $0xC000  }
0xb6: {  	[sflag:s4] =	ssyncset.done $0x0  }
0xb7: {  	s12 =	rddreg [dreg:$0x4];
	[sflag:s4] =	ssyncadd.s32 $0xFFFF4000  }
0xb8: {  	[hbm4b:s12+s2] =	stream.linear.scatter [tilespmem:s0], [sflag:$0x2], $0xC000, $0x38;
	[tilespmem:$0x18200] =	vst v63  }
0xb9: {  	_ =	swait.ge [sflag:s11], $0xC000  }
0xba: {  	[sflag:s11] =	ssyncset.done $0x0  }
0xbb: {  	[sflag:s11] =	ssyncadd.s32 $0xFFFF4000  }
0xbc: {  	v3 =	vld [tilespmem:$0x100];
	_ =	sdelay $0x4  }
0xbd: {  	v56 =	vshrl.u32 v3, $0x3  }
0xbe: {  	v4 =	vmul.u32 $0x30, v56  }
0xbf: {  	v3 =	vand.u32 $0x7, v3  }
0xc0: {  	v3 =	vor.u32 v3, v4  }
0xc1: {  	v4 =	vperm.xlane v3, v0;
	_ =	sdelay $0x1  }
0xc2: {  	v4 =	vadd.s32 v1, v4;
	_ =	sdelay $0x3  }
0xc3: {  	v3 =	vperm.xlane v3, v2  }
0xc4: {  	[tilespmem:s1], [sflag:$0x1] =	stream.indirect_vreg.gather [hbm4b:s3+s2], $0x80, v4, vm0, $0xb8;
	[tilespmem:$0x18200] =	vst v63  }
0xc5: {  	v3 =	vadd.s32 v1, v3  }
0xc6: {  	[tilespmem:s13], [sflag:$0x1] =	stream.indirect_vreg.gather [hbm4b:s5+s2], $0x80, v4, vm0, $0xb8;
	[tilespmem:$0x18200] =	vst v63  }
0xc7: {  	_ = 	snop  }
0xc8: {  	[tilespmem:s14], [sflag:$0x1] =	stream.indirect_vreg.gather [hbm4b:s6+s2], $0x80, v4, vm0, $0xb8;
	[tilespmem:$0x18200] =	vst v63  }
0xc9: {  	_ = 	snop  }
0xca: {  	[tilespmem:s15], [sflag:$0x1] =	stream.indirect_vreg.gather [hbm4b:s3+s2], $0x80, v3, vm0, $0xb8;
	[tilespmem:$0x18200] =	vst v63  }
0xcb: {  	_ = 	snop  }
0xcc: {  	[tilespmem:s16], [sflag:$0x1] =	stream.indirect_vreg.gather [hbm4b:s5+s2], $0x80, v3, vm0, $0xb8;
	[tilespmem:$0x18200] =	vst v63  }
0xcd: {  	_ = 	snop  }
0xce: {  	[tilespmem:s17], [sflag:$0x1] =	stream.indirect_vreg.gather [hbm4b:s6+s2], $0x80, v3, vm0, $0xb8;
	[tilespmem:$0x18200] =	vst v63  }
0xcf: {  	v3 =	vld [tilespmem:$0x110];
	_ =	sdelay $0x4  }
0xd0: {  	v57 =	vshrl.u32 v3, $0x3  }
0xd1: {  	v4 =	vmul.u32 $0x30, v57  }
0xd2: {  	v3 =	vand.u32 $0x7, v3  }
0xd3: {  	v3 =	vor.u32 v3, v4  }
0xd4: {  	v4 =	vperm.xlane v3, v0;
	_ =	sdelay $0x1  }
0xd5: {  	v4 =	vadd.s32 v1, v4;
	_ =	sdelay $0x3  }
0xd6: {  	v3 =	vperm.xlane v3, v2  }
0xd7: {  	[tilespmem:s18], [sflag:$0x1] =	stream.indirect_vreg.gather [hbm4b:s3+s2], $0x80, v4, vm0, $0xb8;
	[tilespmem:$0x18200] =	vst v63  }
0xd8: {  	v3 =	vadd.s32 v1, v3  }
0xd9: {  	[tilespmem:s19], [sflag:$0x1] =	stream.indirect_vreg.gather [hbm4b:s5+s2], $0x80, v4, vm0, $0xb8;
	[tilespmem:$0x18200] =	vst v63  }
0xda: {  	_ = 	snop  }
0xdb: {  	[tilespmem:s20], [sflag:$0x1] =	stream.indirect_vreg.gather [hbm4b:s6+s2], $0x80, v4, vm0, $0xb8;
	[tilespmem:$0x18200] =	vst v63  }
0xdc: {  	_ = 	snop  }
0xdd: {  	[tilespmem:s21], [sflag:$0x1] =	stream.indirect_vreg.gather [hbm4b:s3+s2], $0x80, v3, vm0, $0xb8;
	[tilespmem:$0x18200] =	vst v63  }
0xde: {  	_ = 	snop  }
0xdf: {  	[tilespmem:s22], [sflag:$0x1] =	stream.indirect_vreg.gather [hbm4b:s5+s2], $0x80, v3, vm0, $0xb8;
	[tilespmem:$0x18200] =	vst v63  }
0xe0: {  	_ = 	snop  }
0xe1: {  	[tilespmem:s23], [sflag:$0x1] =	stream.indirect_vreg.gather [hbm4b:s6+s2], $0x80, v3, vm0, $0xb8;
	[tilespmem:$0x18200] =	vst v63  }
0xe2: {  	v3 =	vld [tilespmem:$0x120];
	_ =	sdelay $0x4  }
0xe3: {  	v58 =	vshrl.u32 v3, $0x3  }
0xe4: {  	v4 =	vmul.u32 $0x30, v58  }
0xe5: {  	v3 =	vand.u32 $0x7, v3  }
0xe6: {  	v3 =	vor.u32 v3, v4  }
0xe7: {  	v4 =	vperm.xlane v3, v0;
	_ =	sdelay $0x1  }
0xe8: {  	v4 =	vadd.s32 v1, v4;
	_ =	sdelay $0x3  }
0xe9: {  	v3 =	vperm.xlane v3, v2  }
0xea: {  	[tilespmem:s24], [sflag:$0x1] =	stream.indirect_vreg.gather [hbm4b:s3+s2], $0x80, v4, vm0, $0xb8;
	[tilespmem:$0x18200] =	vst v63  }
0xeb: {  	v3 =	vadd.s32 v1, v3  }
0xec: {  	[tilespmem:s25], [sflag:$0x1] =	stream.indirect_vreg.gather [hbm4b:s5+s2], $0x80, v4, vm0, $0xb8;
	[tilespmem:$0x18200] =	vst v63  }
0xed: {  	_ = 	snop  }
0xee: {  	[tilespmem:s26], [sflag:$0x1] =	stream.indirect_vreg.gather [hbm4b:s6+s2], $0x80, v4, vm0, $0xb8;
	[tilespmem:$0x18200] =	vst v63  }
0xef: {  	_ = 	snop  }
0xf0: {  	[tilespmem:s28], [sflag:$0x1] =	stream.indirect_vreg.gather [hbm4b:s3+s2], $0x80, v3, vm0, $0xb8;
	[tilespmem:$0x18200] =	vst v63  }
0xf1: {  	_ = 	snop  }
0xf2: {  	[tilespmem:s29], [sflag:$0x1] =	stream.indirect_vreg.gather [hbm4b:s5+s2], $0x80, v3, vm0, $0xb8;
	[tilespmem:$0x18200] =	vst v63  }
0xf3: {  	_ = 	snop  }
0xf4: {  	[tilespmem:s30], [sflag:$0x1] =	stream.indirect_vreg.gather [hbm4b:s6+s2], $0x80, v3, vm0, $0xb8;
	[tilespmem:$0x18200] =	vst v63  }
0xf5: {  	v3 =	vld [tilespmem:$0x130];
	_ =	sdelay $0x4  }
0xf6: {  	v59 =	vshrl.u32 v3, $0x3  }
0xf7: {  	v4 =	vmul.u32 $0x30, v59  }
0xf8: {  	v3 =	vand.u32 $0x7, v3  }
0xf9: {  	v3 =	vor.u32 v3, v4  }
0xfa: {  	v4 =	vperm.xlane v3, v0;
	_ =	sdelay $0x1  }
0xfb: {  	v4 =	vadd.s32 v1, v4;
	_ =	sdelay $0x3  }
0xfc: {  	v3 =	vperm.xlane v3, v2  }
0xfd: {  	[tilespmem:s31], [sflag:$0x1] =	stream.indirect_vreg.gather [hbm4b:s3+s2], $0x80, v4, vm0, $0xb8;
	[tilespmem:$0x18200] =	vst v63  }
0xfe: {  	s12 =	simm.s32 $0x9A00;
	v3 =	vadd.s32 v1, v3  }
0xff: {  	[tilespmem:s12], [sflag:$0x1] =	stream.indirect_vreg.gather [hbm4b:s5+s2], $0x80, v4, vm0, $0xb8;
	[tilespmem:$0x18200] =	vst v63  }
0x100: {  	s12 =	simm.s32 $0xA200  }
0x101: {  	[tilespmem:s12], [sflag:$0x1] =	stream.indirect_vreg.gather [hbm4b:s6+s2], $0x80, v4, vm0, $0xb8;
	[tilespmem:$0x18200] =	vst v63  }
0x102: {  	_ = 	snop  }
0x103: {  	[tilespmem:s8], [sflag:$0x1] =	stream.indirect_vreg.gather [hbm4b:s3+s2], $0x80, v3, vm0, $0xb8;
	[tilespmem:$0x18200] =	vst v63  }
0x104: {  	_ = 	snop  }
0x105: {  	[tilespmem:s9], [sflag:$0x1] =	stream.indirect_vreg.gather [hbm4b:s5+s2], $0x80, v3, vm0, $0xb8;
	[tilespmem:$0x18200] =	vst v63  }
0x106: {  	_ = 	snop  }
0x107: {  	[tilespmem:s10], [sflag:$0x1] =	stream.indirect_vreg.gather [hbm4b:s6+s2], $0x80, v3, vm0, $0xb8;
	[tilespmem:$0x18200] =	vst v63  }
0x108: {  	_ =	swait.ge [sflag:s11], $0xC000  }
0x109: {  	[sflag:s11] =	ssyncset.done $0x0  }
0x10a: {  	[sflag:s11] =	ssyncadd.s32 $0xFFFF4000  }
0x10b: {  	v3 =	vld [tilespmem:$0x180];
	_ =	sdelay $0x4  }
0x10c: {  	v60 =	vshrl.u32 v3, $0x3  }
0x10d: {  	v4 =	vmul.u32 $0x30, v60  }
0x10e: {  	v3 =	vand.u32 $0x7, v3  }
0x10f: {  	v3 =	vor.u32 v3, v4  }
0x110: {  	v4 =	vperm.xlane v3, v0;
	_ =	sdelay $0x1  }
0x111: {  	v4 =	vadd.s32 v1, v4;
	_ =	sdelay $0x3  }
0x112: {  	v3 =	vperm.xlane v3, v2  }
0x113: {  	[tilespmem:s0], [sflag:$0x1] =	stream.indirect_vreg.gather [hbm4b:s3+s2], $0x80, v4, vm0, $0xb8;
	[tilespmem:$0x18200] =	vst v63  }
0x114: {  	s12 =	simm.s32 $0xCA00;
	v3 =	vadd.s32 v1, v3  }
0x115: {  	[tilespmem:s12], [sflag:$0x1] =	stream.indirect_vreg.gather [hbm4b:s5+s2], $0x80, v4, vm0, $0xb8;
	[tilespmem:$0x18200] =	vst v63  }
0x116: {  	s12 =	simm.s32 $0xD200  }
0x117: {  	[tilespmem:s12], [sflag:$0x1] =	stream.indirect_vreg.gather [hbm4b:s6+s2], $0x80, v4, vm0, $0xb8;
	[tilespmem:$0x18200] =	vst v63  }
0x118: {  	s12 =	simm.s32 $0xDA00  }
0x119: {  	[tilespmem:s12], [sflag:$0x1] =	stream.indirect_vreg.gather [hbm4b:s3+s2], $0x80, v3, vm0, $0xb8;
	[tilespmem:$0x18200] =	vst v63  }
0x11a: {  	s12 =	simm.s32 $0xE200  }
0x11b: {  	[tilespmem:s12], [sflag:$0x1] =	stream.indirect_vreg.gather [hbm4b:s5+s2], $0x80, v3, vm0, $0xb8;
	[tilespmem:$0x18200] =	vst v63  }
0x11c: {  	s12 =	simm.s32 $0xEA00  }
0x11d: {  	[tilespmem:s12], [sflag:$0x1] =	stream.indirect_vreg.gather [hbm4b:s6+s2], $0x80, v3, vm0, $0xb8;
	[tilespmem:$0x18200] =	vst v63  }
0x11e: {  	v3 =	vld [tilespmem:$0x190];
	_ =	sdelay $0x4  }
0x11f: {  	v61 =	vshrl.u32 v3, $0x3  }
0x120: {  	v4 =	vmul.u32 $0x30, v61  }
0x121: {  	v3 =	vand.u32 $0x7, v3  }
0x122: {  	v3 =	vor.u32 v3, v4  }
0x123: {  	v4 =	vperm.xlane v3, v0;
	_ =	sdelay $0x1  }
0x124: {  	v4 =	vadd.s32 v1, v4;
	_ =	sdelay $0x3  }
0x125: {  	s12 =	simm.s32 $0xF200;
	v3 =	vperm.xlane v3, v2  }
0x126: {  	[tilespmem:s12], [sflag:$0x1] =	stream.indirect_vreg.gather [hbm4b:s3+s2], $0x80, v4, vm0, $0xb8;
	[tilespmem:$0x18200] =	vst v63  }
0x127: {  	v3 =	vadd.s32 v1, v3;
	s12 =	simm.s32 $0xFA00  }
0x128: {  	[tilespmem:s12], [sflag:$0x1] =	stream.indirect_vreg.gather [hbm4b:s5+s2], $0x80, v4, vm0, $0xb8;
	[tilespmem:$0x18200] =	vst v63  }
0x129: {  	s12 =	simm.s32 $0x10200  }
0x12a: {  	[tilespmem:s12], [sflag:$0x1] =	stream.indirect_vreg.gather [hbm4b:s6+s2], $0x80, v4, vm0, $0xb8;
	[tilespmem:$0x18200] =	vst v63  }
0x12b: {  	s12 =	simm.s32 $0x10A00  }
0x12c: {  	[tilespmem:s12], [sflag:$0x1] =	stream.indirect_vreg.gather [hbm4b:s3+s2], $0x80, v3, vm0, $0xb8;
	[tilespmem:$0x18200] =	vst v63  }
0x12d: {  	s12 =	simm.s32 $0x11200  }
0x12e: {  	[tilespmem:s12], [sflag:$0x1] =	stream.indirect_vreg.gather [hbm4b:s5+s2], $0x80, v3, vm0, $0xb8;
	[tilespmem:$0x18200] =	vst v63  }
0x12f: {  	s12 =	simm.s32 $0x11A00  }
0x130: {  	[tilespmem:s12], [sflag:$0x1] =	stream.indirect_vreg.gather [hbm4b:s6+s2], $0x80, v3, vm0, $0xb8;
	[tilespmem:$0x18200] =	vst v63  }
0x131: {  	v3 =	vld [tilespmem:$0x1A0];
	_ =	sdelay $0x4  }
0x132: {  	v62 =	vshrl.u32 v3, $0x3  }
0x133: {  	v4 =	vmul.u32 $0x30, v62  }
0x134: {  	v3 =	vand.u32 $0x7, v3  }
0x135: {  	v3 =	vor.u32 v3, v4  }
0x136: {  	v4 =	vperm.xlane v3, v0;
	_ =	sdelay $0x1  }
0x137: {  	v4 =	vadd.s32 v1, v4;
	_ =	sdelay $0x3  }
0x138: {  	s12 =	simm.s32 $0x12200;
	v3 =	vperm.xlane v3, v2  }
0x139: {  	[tilespmem:s12], [sflag:$0x1] =	stream.indirect_vreg.gather [hbm4b:s3+s2], $0x80, v4, vm0, $0xb8;
	[tilespmem:$0x18200] =	vst v63  }
0x13a: {  	v3 =	vadd.s32 v1, v3;
	s12 =	simm.s32 $0x12A00  }
0x13b: {  	[tilespmem:s12], [sflag:$0x1] =	stream.indirect_vreg.gather [hbm4b:s5+s2], $0x80, v4, vm0, $0xb8;
	[tilespmem:$0x18200] =	vst v63  }
0x13c: {  	s12 =	simm.s32 $0x13200  }
0x13d: {  	[tilespmem:s12], [sflag:$0x1] =	stream.indirect_vreg.gather [hbm4b:s6+s2], $0x80, v4, vm0, $0xb8;
	[tilespmem:$0x18200] =	vst v63  }
0x13e: {  	s12 =	simm.s32 $0x13A00  }
0x13f: {  	[tilespmem:s12], [sflag:$0x1] =	stream.indirect_vreg.gather [hbm4b:s3+s2], $0x80, v3, vm0, $0xb8;
	[tilespmem:$0x18200] =	vst v63  }
0x140: {  	s12 =	simm.s32 $0x14200  }
0x141: {  	[tilespmem:s12], [sflag:$0x1] =	stream.indirect_vreg.gather [hbm4b:s5+s2], $0x80, v3, vm0, $0xb8;
	[tilespmem:$0x18200] =	vst v63  }
0x142: {  	s12 =	simm.s32 $0x14A00  }
0x143: {  	[tilespmem:s12], [sflag:$0x1] =	stream.indirect_vreg.gather [hbm4b:s6+s2], $0x80, v3, vm0, $0xb8;
	[tilespmem:$0x18200] =	vst v63  }
0x144: {  	v3 =	vld [tilespmem:$0x1B0];
	_ =	sdelay $0x4  }
0x145: {  	v63 =	vshrl.u32 v3, $0x3  }
0x146: {  	v4 =	vmul.u32 $0x30, v63  }
0x147: {  	v3 =	vand.u32 $0x7, v3  }
0x148: {  	v3 =	vor.u32 v3, v4  }
0x149: {  	v4 =	vperm.xlane v3, v0;
	_ =	sdelay $0x1  }
0x14a: {  	v4 =	vadd.s32 v1, v4;
	_ =	sdelay $0x3  }
0x14b: {  	s12 =	simm.s32 $0x15200;
	v3 =	vperm.xlane v3, v2  }
0x14c: {  	[tilespmem:s12], [sflag:$0x1] =	stream.indirect_vreg.gather [hbm4b:s3+s2], $0x80, v4, vm0, $0xb8;
	[tilespmem:$0x18200] =	vst v63  }
0x14d: {  	v3 =	vadd.s32 v1, v3;
	s12 =	simm.s32 $0x15A00  }
0x14e: {  	[tilespmem:s12], [sflag:$0x1] =	stream.indirect_vreg.gather [hbm4b:s5+s2], $0x80, v4, vm0, $0xb8;
	[tilespmem:$0x18200] =	vst v63  }
0x14f: {  	s12 =	simm.s32 $0x16200  }
0x150: {  	[tilespmem:s12], [sflag:$0x1] =	stream.indirect_vreg.gather [hbm4b:s6+s2], $0x80, v4, vm0, $0xb8;
	[tilespmem:$0x18200] =	vst v63  }
0x151: {  	s12 =	simm.s32 $0x16A00  }
0x152: {  	[tilespmem:s12], [sflag:$0x1] =	stream.indirect_vreg.gather [hbm4b:s3+s2], $0x80, v3, vm0, $0xb8;
	[tilespmem:$0x18200] =	vst v63  }
0x153: {  	s12 =	simm.s32 $0x17200  }
0x154: {  	[tilespmem:s12], [sflag:$0x1] =	stream.indirect_vreg.gather [hbm4b:s5+s2], $0x80, v3, vm0, $0xb8;
	[tilespmem:$0x18200] =	vst v63  }
0x155: {  	s12 =	simm.s32 $0x17A00  }
0x156: {  	[tilespmem:s12], [sflag:$0x1] =	stream.indirect_vreg.gather [hbm4b:s6+s2], $0x80, v3, vm0, $0xb8;
	[tilespmem:$0x18200] =	vst v63  }
0x157: {  	_ =	swait.ge [sflag:s4], $0xC000  }
0x158: {  	[sflag:s4] =	ssyncset.done $0x0  }
0x159: {  	s1 =	simm.s32 $0x200;
	s8 =	rddreg [dreg:$0x5];
	[sflag:s4] =	ssyncadd.s32 $0xFFFF4000  }
0x15a: {  	[hbm4b:s8+s2] =	stream.linear.scatter [tilespmem:s1], [sflag:$0x2], $0xC000, $0x38;
	[tilespmem:$0x18200] =	vst v63  }
0x15b: {  	_ =	swait.ge [sflag:s4], $0xC000  }
0x15c: {  	[sflag:s4] =	ssyncset.done $0x0  }
0x15d: {  	s8 =	rddreg [dreg:$0x6];
	[sflag:s4] =	ssyncadd.s32 $0xFFFF4000  }
0x15e: {  	[hbm4b:s8+s2] =	stream.linear.scatter [tilespmem:s0], [sflag:$0x2], $0xC000, $0x38;
	[tilespmem:$0x18200] =	vst v63  }
0x15f: {  	p0 =	sne.s32 s7, $0x1;
	_ =	swait.ge [sflag:s11], $0xC000  }
.Ltmp0:
0x160: {  	[sflag:s11] =	ssyncset.done $0x0;
	(pc) =	sbr.rel @p0 .LBB2_1-.Ltmp0, $4  }
0x161: {  	[sflag:s11] =	ssyncadd.s32 $0xFFFF4000  }
0x162: {  	_ =	swait.ge [sflag:s11], $0xC000  }
0x163: {  	[sflag:s11] =	ssyncset.done $0x0  }
0x164: {  	s7 =	sadd.s32 $0xFFFFFFFF, s7;
	[sflag:s11] =	ssyncadd.s32 $0xFFFF4000  }
0x165: {  	_ =	sfence.sel $0x180000  }
0x166: {  	[bflag:$0x0] =	sbarrier.arrive $0xFFFF  }
0x167: {  	_ =	strace $0x9000004A  }
0x168: {  	s0 =	stileid.u32;
	[bflag:$0x2] =	sbarrier.arrive $0xFFFF  }
0x169: {  	p0 =	sne.s32 s0, $0x0;
	s0 =	rddreg [dreg:$0x2]  }
0x16a: {  	s0 =	sadd.s32 @!p0 $0x100000, s0  }
0x16b: {  	[sflag:s0] =	ssyncadd.tile.s32 @!p0 $0x1;
	_ =	shalt  }
.Lfunc_end2:
_tile_overlayer_lowered:
.L_overlay_start_2:
0x16c: {  	(tag) =	ssettag $0x2  }
0x16d: {  	s0 =	rddreg [dreg:$0x0];
	s2 =	stileid.u32  }
0x16e: {  	s1 =	rddreg [dreg:$0x1];
	p0 =	sne.s32 s2, $0x0  }
0x16f: {  	s3 =	rddreg [dreg:$0x2];
	[bflag:$0x3] =	sbarrier.arrive $0xFFFF;
	s2 =	simm.s32 @!p0 $0x1C03  }
0x170: {  	[timem:s3], [sflag:s2] =	dma.local @!p0 [hbm:s0], s1  }
0x171: {  	s0 =	simm.s32 @!p0 $0x3  }
0x172: {  	_ =	swait.ge @!p0 [sflag:s0], s1  }
0x173: {  	s1 =	ssub.s32 @!p0 $0x0, s1;
	[sflag:s0] =	ssyncset.done @!p0 $0x0  }
0x174: {  	[sflag:s0] =	ssyncadd.s32 @!p0 s1  }
0x175: {  	[bflag:$0x3] =	sbarrier.arrive $0xFFFF  }
0x176: {  	_ =	shalt  }

// kernel: kernel.7.cloned.1.call-start
scs
__scs_entry_jumppad:
0x0: {  	(pc) =	sbr.rel $0x88, $3  }
0x1: {  	(tag) =	ssettag $0x0;
	lr =	simm.s32 $0x1  }
0x2: {  	[smem:$0x3F9B] =	sst lr;
	_ =	strace $0xD0000000  }
0x3: {  	_ = 	snop  }
0x4: {  	_ = 	snop  }
0x5: {  	_ = 	snop  }
0x6: {  	_ = 	snop  }
0x7: {  	_ = 	snop  }
__scs_overlays_trampoline_lowered:
0x8: {  	[smem:$0x3FAA] =	sst s0  }
0x9: {  	[smem:$0x3FAB] =	sst s1  }
0xa: {  	[smem:$0x3FAC] =	sst s2  }
0xb: {  	[smem:$0x3FAD] =	sst s3  }
0xc: {  	[smem:$0x3FAE] =	sst s4  }
0xd: {  	[smem:$0x3FAF] =	sst s5  }
0xe: {  	[smem:$0x3FB0] =	sst s6  }
0xf: {  	[smem:$0x3FB1] =	sst s7  }
0x10: {  	[smem:$0x3FB2] =	sst s8  }
0x11: {  	[smem:$0x3FB3] =	sst s9;
	s0 =	simm.s32 @!p0 $0x0  }
0x12: {  	s1 =	sld [smem:$0x3F99];
	s0 =	simm.s32 @p0 $0x1  }
0x13: {  	[smem:$0x3FB4] =	sst s0;
	s0 =	simm.s32 @!p1 $0x0  }
0x14: {  	s2 =	sld [smem:$0x3F98];
	s0 =	simm.s32 @p1 $0x1  }
0x15: {  	[smem:$0x3FB5] =	sst s0;
	s0 =	simm.s32 @!p2 $0x0  }
0x16: {  	s3 =	sld [smem:$0x3FDB];
	s0 =	simm.s32 @p2 $0x1  }
0x17: {  	s4 =	simm.s32 $0x1BF5;
	[smem:$0x3FB7] =	sst s0  }
0x18: {  	s0 =	sld [smem:$0x3F9A];
	_ =	swait.ge [sflag:s4], $0x0  }
0x19: {  	s7 =	sld [smem:$0x3F9B]  }
0x1a: {  	s8 =	sadd.s32 $0xFFFFE003, lr  }
0x1b: {  	s9 =	sadd.s32 $0xFFFFFEF7, lr;
	s5 =	simm.s32 $0xFFFFFFFF;
	p2 =	slt.u32 s8, $0xFFFFF086  }
0x1c: {  	p1 =	slt.u32 s9, $0xF7A;
	s5 =	simm.s32 @!p2 $0x0  }
0x1d: {  	s5 =	simm.s32 @p1 $0x1;
	p0 =	seq.s32 s7, s2  }
0x1e: {  	s7 =	smul.u32 @!p0 $0xF7A, s2;
	p2 =	seq.s32 @!p0 s5, $0x0  }
0x1f: {  	s9 =	smul.u32 $0xF7A, s1;
	s8 =	simm.s32 @!p0 $0x1BF5;
	p2 =	por !p2, p0  }
0x20: {  	[sflag:s8] =	ssyncset.s32 @!p0 $0xFFFFF086;
	s6 =	sadd.s32 @!p0 s3, s7;
	s7 =	simm.s32 @!p0 $0x108  }
0x21: {  	s3 =	sadd.s32 s3, s9;
	s6 =	sadd.s32 @!p0 $0x88, s6;
	s7 =	simm.s32 @p2 $0x1082  }
0x22: {  	[simem:s7], [sflag:s8] =	dma.local @!p0 [hbm:s6], $0xF7A  }
0x23: {  	s9 =	sor.u32 $0xD0000000, s2;
	s6 =	simm.s32 $0x108;
	_ =	swait.ge @!p0 [sflag:s8], $0x0  }
0x24: {  	s3 =	sadd.s32 $0x88, s3;
	s6 =	simm.s32 @!p1 $0x1082;
	[sflag:s4] =	ssyncset.s32 $0xFFFFF086  }
0x25: {  	[simem:s6], [sflag:s4] =	dma.local [hbm:s3], $0xF7A  }
0x26: {  	[smem:$0x3F9B] =	sst s1;
	(tag) =	ssettag s2;
	_ =	strace s9  }
0x27: {  	s1 =	sld [smem:$0x3FAB]  }
0x28: {  	s2 =	sld [smem:$0x3FAC]  }
0x29: {  	s4 =	sld [smem:$0x3FAE]  }
0x2a: {  	p0 =	seq.s32 s5, $0x0;
	s5 =	sld [smem:$0x3FAF]  }
0x2b: {  	s6 =	sld [smem:$0x3FB0]  }
0x2c: {  	s7 =	sld [smem:$0x3FB1]  }
0x2d: {  	s3 =	simm.s32 $0x108;
	s8 =	sld [smem:$0x3FB2]  }
0x2e: {  	s3 =	simm.s32 @!p0 $0x1082;
	s9 =	sld [smem:$0x3FB3]  }
0x2f: {  	lr =	sadd.s32 s0, s3;
	s0 =	sld [smem:$0x3FAA]  }
0x30: {  	s3 =	sld [smem:$0x3FAD]  }
0x31: {  	[smem:$0x3FB6] =	sst s10  }
0x32: {  	s10 =	sld [smem:$0x3FB4];
	_ =	sdelay $0x3  }
0x33: {  	p0 =	seq.s32 s10, $0x1;
	s10 =	sld [smem:$0x3FB6];
	_ =	sdelay $0x3  }
0x34: {  	[smem:$0x3FB6] =	sst s10  }
0x35: {  	s10 =	sld [smem:$0x3FB5];
	_ =	sdelay $0x3  }
0x36: {  	p1 =	seq.s32 s10, $0x1;
	s10 =	sld [smem:$0x3FB6];
	_ =	sdelay $0x3  }
0x37: {  	[smem:$0x3FB6] =	sst s10  }
0x38: {  	s10 =	sld [smem:$0x3FB7]  }
0x39: {  	_ = 	snop;
	(pc) =	sbr.ind lr, $3  }
0x3a: {  	_ = 	snop  }
0x3b: {  	_ = 	snop  }
0x3c: {  	p2 =	seq.s32 s10, $0x1;
	s10 =	sld [smem:$0x3FB6]  }
0x3d: {  	_ =	shalt  }
0x3e: {  	_ =	shalt  }
0x3f: {  	_ =	shalt  }
0x40: {  	_ =	shalt  }
0x41: {  	_ =	shalt  }
0x42: {  	_ =	shalt  }
0x43: {  	_ =	shalt  }
0x44: {  	_ =	shalt  }
0x45: {  	_ =	shalt  }
0x46: {  	_ =	shalt  }
0x47: {  	_ =	shalt  }
0x48: {  	_ =	shalt  }
0x49: {  	_ =	shalt  }
0x4a: {  	_ =	shalt  }
0x4b: {  	_ =	shalt  }
0x4c: {  	_ =	shalt  }
0x4d: {  	_ =	shalt  }
0x4e: {  	_ =	shalt  }
0x4f: {  	_ =	shalt  }
0x50: {  	_ =	shalt  }
0x51: {  	_ =	shalt  }
0x52: {  	_ =	shalt  }
0x53: {  	_ =	shalt  }
0x54: {  	_ =	shalt  }
0x55: {  	_ =	shalt  }
0x56: {  	_ =	shalt  }
0x57: {  	_ =	shalt  }
0x58: {  	_ =	shalt  }
0x59: {  	_ =	shalt  }
0x5a: {  	_ =	shalt  }
0x5b: {  	_ =	shalt  }
0x5c: {  	_ =	shalt  }
0x5d: {  	_ =	shalt  }
0x5e: {  	_ =	shalt  }
0x5f: {  	_ =	shalt  }
0x60: {  	_ =	shalt  }
0x61: {  	_ =	shalt  }
0x62: {  	_ =	shalt  }
0x63: {  	_ =	shalt  }
0x64: {  	_ =	shalt  }
0x65: {  	_ =	shalt  }
0x66: {  	_ =	shalt  }
0x67: {  	_ =	shalt  }
0x68: {  	_ =	shalt  }
0x69: {  	_ =	shalt  }
0x6a: {  	_ =	shalt  }
0x6b: {  	_ =	shalt  }
0x6c: {  	_ =	shalt  }
0x6d: {  	_ =	shalt  }
0x6e: {  	_ =	shalt  }
0x6f: {  	_ =	shalt  }
0x70: {  	_ =	shalt  }
0x71: {  	_ =	shalt  }
0x72: {  	_ =	shalt  }
0x73: {  	_ =	shalt  }
0x74: {  	_ =	shalt  }
0x75: {  	_ =	shalt  }
0x76: {  	_ =	shalt  }
0x77: {  	_ =	shalt  }
0x78: {  	_ =	shalt  }
0x79: {  	_ =	shalt  }
0x7a: {  	_ =	shalt  }
0x7b: {  	_ =	shalt  }
0x7c: {  	_ =	shalt  }
0x7d: {  	_ =	shalt  }
0x7e: {  	_ =	shalt  }
0x7f: {  	_ =	shalt  }
0x80: {  	_ =	shalt  }
0x81: {  	_ =	shalt  }
0x82: {  	_ =	shalt  }
0x83: {  	_ =	shalt  }
0x84: {  	_ =	shalt  }
0x85: {  	_ =	shalt  }
0x86: {  	_ =	shalt  }
0x87: {  	_ =	shalt  }
.Lfunc_end0:
.L_simem_size_0:
called_computation_lowered:
.L_overlay_start_0:
0x88: {  	s2 =	sld [smem:$0x3FD9]  }
0x89: {  	s3 =	sld [smem:$0x3FFE];
	_ =	sdelay $0x1  }
0x8a: {  	s1 =	srdreg.scid  }
0x8b: {  	s0 =	sand.u32 $0x1, s1  }
0x8c: {  	s17 =	sshll.u32 s0, $0xA;
	s2 =	sadd.s32 s3, s2  }
0x8d: {  	s2 =	sadd.s32 s2, s17  }
0x8e: {  	[smem:$0x3FC2] =	sst s2  }
0x8f: {  	_ = 	snop  }
0x90: {  	s2 =	sld [smem:$0x3FC9];
	(tm) =	ssettm $0x1  }
0x91: {  	s18 =	sld [smem:$0x3FFB];
	_ =	sdelay $0x3  }
0x92: {  	_ =	strace s18  }
0x93: {  	s3 =	sld [smem:$0x3FFC];
	_ =	sdelay $0x3  }
0x94: {  	_ =	strace s3  }
0x95: {  	s3 =	sld [smem:$0x3FFD];
	_ =	sdelay $0x3  }
0x96: {  	_ =	strace s3  }
0x97: {  	_ =	strace $0x8FFFFFFF  }
0x98: {  	s19 =	sld [smem:$0x3FDB];
	_ =	sdelay $0x1  }
0x99: {  	s4 =	simm.s32 $_scs_section_size  }
0x9a: {  	s5 =	simm.s32 $_size__tile_overlayer_lowered;
	s6 =	simm.s32 $_tile_overlayer_lowered  }
0x9b: {  	s22 =	simm.s32 $0x1BFF;
	s21 =	sshll.u32 s6, $0x1;
	s3 =	sadd.s32 s4, s19  }
0x9c: {  	s7 =	simm.s32 $0x0;
	s20 =	sshll.u32 s5, $0x1;
	s5 =	sadd.s32 s21, s3  }
0x9d: {  	[timem:s7], [sflag:s22] =	dma.local [hbm:s5], s20  }
0x9e: {  	_ =	swait.ge [sflag:s22], s20  }
0x9f: {  	s4 =	ssub.s32 $0x0, s20;
	[sflag:s22] =	ssyncset.done $0x0  }
0xa0: {  	[sflag:s22] =	ssyncadd.s32 s4;
	_ =	sdelay $0x1  }
0xa1: {  	s23 =	simm.s32 $0x1B8B  }
0xa2: {  	_ =	swait.ge [sflag:s23], $0x1  }
0xa3: {  	[sflag:s23] =	ssyncset.done $0x0  }
0xa4: {  	s25 =	simm.s32 $0x1B8E;
	s24 =	sld [smem:$0x3FFE];
	[sflag:s23] =	ssyncadd.s32 $0xFFFFFFFF  }
0xa5: {  	s26 =	simm.s32 $execute0_lowered;
	[smem:$0x3FD2] =	sst s25  }
0xa6: {  	s5 =	sshll.u32 s26, $0x1;
	_ =	strace $0x80000046;
	[dreg:$0x1] =	wrdreg $0xFFFFFFFF  }
0xa7: {  	s28 =	simm.s32 $_size_execute0_lowered;
	s3 =	sadd.s32 s3, s5;
	[dreg:$0x0] =	wrdreg $0x0  }
0xa8: {  	s5 =	sshll.u32 s28, $0x1;
	[dreg:$0x2] =	wrdreg s3  }
0xa9: {  	[dreg:$0x3] =	wrdreg s5  }
0xaa: {  	[dreg:$0x4] =	wrdreg $0xC0  }
0xab: {  	_ =	task [dreg:s7], $0x5FFFF  }
0xac: {  	[dreg:$0x1] =	wrdreg $0xFFFFFFFF  }
0xad: {  	[dreg:$0x0] =	wrdreg $0x60  }
0xae: {  	[dreg:$0x2] =	wrdreg s2  }
0xaf: {  	[dreg:$0x3] =	wrdreg s24  }
0xb0: {  	[dreg:$0x4] =	wrdreg $0x9  }
0xb1: {  	_ =	task.clear_ibuf [dreg:s7], $0x5FFFF;
	_ =	strace $0x90000046  }
0xb2: {  	s29 =	simm.s32 $0x9;
	_ =	strace $0x80000048  }
0xb3: {  	_ =	swait.ge [sflag:s29], $0x1  }
0xb4: {  	[sflag:s29] =	ssyncadd.s32 $0xFFFFFFFF  }
0xb5: {  	_ =	strace $0x90000048  }
0xb6: {  	_ =	sfence  }
0xb7: {  	s30 =	sld [smem:$0x0];
	_ =	sdelay $0x2  }
0xb8: {  	s31 =	sshll.u32 s1, $0xD;
	s1 =	sshrl.u32 s1, $0x2  }
0xb9: {  	s3 =	sand.u32 $0x4000, s31;
	s1 =	sadd.s32 s1, s30  }
0xba: {  	s0 =	sor.u32 s3, s0;
	s1 =	sshll.u32 s1, $0x11  }
0xbb: {  	s0 =	sor.u32 s1, s0  }
0xbc: {  	s0 =	sadd.s32 $0x8F2B, s0  }
0xbd: {  	[sflag:s0] =	ssyncadd.remote.s32 $0x1  }
0xbe: {  	_ =	sfence.sel $0xFFFF  }
0xbf: {  	[dreg:$0x0] =	wrdreg $0xFFFFFFFF;
	(pc) =	sbr.abs _section_cstart, $3  }
0xc0: {  	[dreg:$0x1] =	wrdreg $0xFFFFFFFF  }
0xc1: {  	_ =	task.clear_ibuf [dreg:s7], $0x2FFFF;
	_ =	strace $0x9FFFFFFF  }
0xc2: {  	(tm) =	ssettm $0x7FFFFFFF  }
0xc3: {  	_ =	shalt  }
tec
execute0_lowered:
.L_overlay_start_1:
0x0: {  	(tag) =	ssettag $0x1  }
0x1: {  	s0 =	rddreg [dreg:$0x0];
	s1 =	srdreg.scid  }
0x2: {  	s2 =	stileid.u32;
	s4 =	rddreg [dreg:$0x1];
	s11 =	simm.s32 $0x1  }
0x3: {  	s14 =	simm.s32 $0x2;
	s10 =	simm.s32 $0x200;
	s17 =	simm.s32 $0x1200  }
0x4: {  	s18 =	simm.s32 $0x1A00;
	s19 =	simm.s32 $0x2200;
	s20 =	simm.s32 $0x2A00  }
0x5: {  	s21 =	simm.s32 $0x3200;
	s22 =	simm.s32 $0x3A00;
	s23 =	simm.s32 $0x4200  }
0x6: {  	s24 =	simm.s32 $0x4A00;
	s28 =	simm.s32 $0x6200;
	s29 =	simm.s32 $0x6A00  }
0x7: {  	s30 =	simm.s32 $0x7200;
	s31 =	simm.s32 $0x7A00;
	s12 =	simm.s32 $0x9A00  }
0x8: {  	s1 =	sand.u32 $0x1, s1;
	s3 =	sshll.u32 s2, $0x1;
	s2 =	simm.s32 $0x0  }
0x9: {  	s13 =	simm.s32 $0xA200;
	s5 =	sor.u32 s1, s3;
	[smem:$0x7FF] =	sst s2  }
0xa: {  	s1 =	ssub.s32 $0x2, s1;
	s3 =	sadd.s32 $0x800, s4;
	s6 =	smul.u32 $0x6000, s5  }
0xb: {  	s7 =	smul.u32 $0x30000, s5;
	s8 =	sshrl.u32 s1, $0x1;
	s5 =	sshll.u32 s5, $0x6  }
0xc: {  	_ =	strace $0x80000047;
	s5 =	sadd.s32 s4, s5;
	s1 =	ssub.s32 s1, s8  }
0xd: {  	s8 =	simm.s32 $0xAA00;
	s9 =	sadd.s32 s0, s6;
	s25 =	sshrl.u32 s7, $0x3  }
0xe: {  	[dreg:$0x3] =	wrdreg s5;
	s5 =	sadd.s32 $0x900, s4;
	s7 =	smax.u32 s1, $0x1  }
0xf: {  	[dreg:$0x7] =	wrdreg s9;
	s26 =	sadd.s32 $0x1800, s9;
	s0 =	sadd.s32 s0, s25  }
0x10: {  	v2 =	vlaneseq.u32;
	s25 =	simm.s32 $0x5200;
	[dreg:$0x4] =	wrdreg s26;
	s6 =	sadd.s32 $0x3000, s0  }
0x11: {  	vm0 =	vmmov $0xffff;
	v1 =	vshrl.u32 v2, $0x3;
	s9 =	simm.s32 $0xB200;
	s0 =	sadd.s32 $0x4800, s0;
	[dreg:$0x5] =	wrdreg s6  }
0x12: {  	v0 =	vand.u32 $0x7, v2;
	v2 =	vor.u32 $0x8, v2;
	v1 =	vmul.u32 $0x8, v1;
	s26 =	simm.s32 $0x5A00;
	s6 =	sadd.s32 $0xA00, s4;
	[dreg:$0x6] =	wrdreg s0  }
.LBB2_1:
0x13: {  	s15 =	rddreg [dreg:$0x3];
	s0 =	simm.s32 $0x3  }
0x14: {  	[tilespmem:s2], [sflag:$0x3] =	stream.linear.gather [hbm4b:s15+s2], $0x200, $0x38;
	[tilespmem:$0x18200] =	vst v63  }
0x15: {  	_ =	swait.ge [sflag:s0], $0x200  }
0x16: {  	[sflag:s0] =	ssyncset.done $0x0  }
0x17: {  	s16 =	rddreg [dreg:$0x7];
	[sflag:s0] =	ssyncadd.s32 $0xFFFFFE00  }
0x18: {  	[tilespmem:s10], [sflag:$0x1] =	stream.linear.gather [hbm4b:s16+s2], $0xC000, $0x38;
	[tilespmem:$0x18200] =	vst v63  }
0x19: {  	s4 =	rddreg [dreg:$0x4];
	s0 =	simm.s32 $0xC200  }
0x1a: {  	[tilespmem:s0], [sflag:$0x1] =	stream.linear.gather [hbm4b:s4+s2], $0xC000, $0x38;
	[tilespmem:$0x18200] =	vst v63  }
0x1b: {  	_ =	swait.ge [sflag:s11], $0xC000  }
0x1c: {  	[sflag:s11] =	ssyncset.done $0x0  }
0x1d: {  	[sflag:s11] =	ssyncadd.s32 $0xFFFF4000  }
0x1e: {  	v3 =	vld [tilespmem:$0x0];
	_ =	sdelay $0x4  }
0x1f: {  	v4 =	vshrl.u32 v3, $0x3  }
0x20: {  	v4 =	vmul.u32 $0x30, v4  }
0x21: {  	v3 =	vand.u32 $0x7, v3  }
0x22: {  	v3 =	vor.u32 v3, v4  }
0x23: {  	v4 =	vperm.xlane v3, v0;
	_ =	sdelay $0x1  }
0x24: {  	v4 =	vadd.s32 v1, v4;
	_ =	sdelay $0x3  }
0x25: {  	v3 =	vperm.xlane v3, v2  }
0x26: {  	[hbm4b:s3+s2] =	stream.indirect_vreg.scatter [tilespmem:s10], [sflag:$0x2], $0x80, v4, vm0, $0xb8;
	[tilespmem:$0x18200] =	vst v63  }
0x27: {  	s16 =	simm.s32 $0xA00;
	v3 =	vadd.s32 v1, v3  }
0x28: {  	[hbm4b:s5+s2] =	stream.indirect_vreg.scatter [tilespmem:s16], [sflag:$0x2], $0x80, v4, vm0, $0xb8;
	[tilespmem:$0x18200] =	vst v63  }
0x29: {  	_ = 	snop  }
0x2a: {  	[hbm4b:s6+s2] =	stream.indirect_vreg.scatter [tilespmem:s17], [sflag:$0x2], $0x80, v4, vm0, $0xb8;
	[tilespmem:$0x18200] =	vst v63  }
0x2b: {  	_ = 	snop  }
0x2c: {  	[hbm4b:s3+s2] =	stream.indirect_vreg.scatter [tilespmem:s18], [sflag:$0x2], $0x80, v3, vm0, $0xb8;
	[tilespmem:$0x18200] =	vst v63  }
0x2d: {  	_ = 	snop  }
0x2e: {  	[hbm4b:s5+s2] =	stream.indirect_vreg.scatter [tilespmem:s19], [sflag:$0x2], $0x80, v3, vm0, $0xb8;
	[tilespmem:$0x18200] =	vst v63  }
0x2f: {  	_ = 	snop  }
0x30: {  	[hbm4b:s6+s2] =	stream.indirect_vreg.scatter [tilespmem:s20], [sflag:$0x2], $0x80, v3, vm0, $0xb8;
	[tilespmem:$0x18200] =	vst v63  }
0x31: {  	v3 =	vld [tilespmem:$0x10];
	_ =	sdelay $0x4  }
0x32: {  	v49 =	vshrl.u32 v3, $0x3  }
0x33: {  	v4 =	vmul.u32 $0x30, v49  }
0x34: {  	v3 =	vand.u32 $0x7, v3  }
0x35: {  	v3 =	vor.u32 v3, v4  }
0x36: {  	v4 =	vperm.xlane v3, v0;
	_ =	sdelay $0x1  }
0x37: {  	v4 =	vadd.s32 v1, v4;
	_ =	sdelay $0x3  }
0x38: {  	v3 =	vperm.xlane v3, v2  }
0x39: {  	[hbm4b:s3+s2] =	stream.indirect_vreg.scatter [tilespmem:s21], [sflag:$0x2], $0x80, v4, vm0, $0xb8;
	[tilespmem:$0x18200] =	vst v63  }
0x3a: {  	v3 =	vadd.s32 v1, v3  }
0x3b: {  	[hbm4b:s5+s2] =	stream.indirect_vreg.scatter [tilespmem:s22], [sflag:$0x2], $0x80, v4, vm0, $0xb8;
	[tilespmem:$0x18200] =	vst v63  }
0x3c: {  	_ = 	snop  }
0x3d: {  	[hbm4b:s6+s2] =	stream.indirect_vreg.scatter [tilespmem:s23], [sflag:$0x2], $0x80, v4, vm0, $0xb8;
	[tilespmem:$0x18200] =	vst v63  }
0x3e: {  	_ = 	snop  }
0x3f: {  	[hbm4b:s3+s2] =	stream.indirect_vreg.scatter [tilespmem:s24], [sflag:$0x2], $0x80, v3, vm0, $0xb8;
	[tilespmem:$0x18200] =	vst v63  }
0x40: {  	_ = 	snop  }
0x41: {  	[hbm4b:s5+s2] =	stream.indirect_vreg.scatter [tilespmem:s25], [sflag:$0x2], $0x80, v3, vm0, $0xb8;
	[tilespmem:$0x18200] =	vst v63  }
0x42: {  	_ = 	snop  }
0x43: {  	[hbm4b:s6+s2] =	stream.indirect_vreg.scatter [tilespmem:s26], [sflag:$0x2], $0x80, v3, vm0, $0xb8;
	[tilespmem:$0x18200] =	vst v63  }
0x44: {  	v3 =	vld [tilespmem:$0x20];
	_ =	sdelay $0x4  }
0x45: {  	v50 =	vshrl.u32 v3, $0x3  }
0x46: {  	v4 =	vmul.u32 $0x30, v50  }
0x47: {  	v3 =	vand.u32 $0x7, v3  }
0x48: {  	v3 =	vor.u32 v3, v4  }
0x49: {  	v4 =	vperm.xlane v3, v0;
	_ =	sdelay $0x1  }
0x4a: {  	v4 =	vadd.s32 v1, v4;
	_ =	sdelay $0x3  }
0x4b: {  	v3 =	vperm.xlane v3, v2  }
0x4c: {  	[hbm4b:s3+s2] =	stream.indirect_vreg.scatter [tilespmem:s28], [sflag:$0x2], $0x80, v4, vm0, $0xb8;
	[tilespmem:$0x18200] =	vst v63  }
0x4d: {  	v3 =	vadd.s32 v1, v3  }
0x4e: {  	[hbm4b:s5+s2] =	stream.indirect_vreg.scatter [tilespmem:s29], [sflag:$0x2], $0x80, v4, vm0, $0xb8;
	[tilespmem:$0x18200] =	vst v63  }
0x4f: {  	_ = 	snop  }
0x50: {  	[hbm4b:s6+s2] =	stream.indirect_vreg.scatter [tilespmem:s30], [sflag:$0x2], $0x80, v4, vm0, $0xb8;
	[tilespmem:$0x18200] =	vst v63  }
0x51: {  	_ = 	snop  }
0x52: {  	[hbm4b:s3+s2] =	stream.indirect_vreg.scatter [tilespmem:s31], [sflag:$0x2], $0x80, v3, vm0, $0xb8;
	[tilespmem:$0x18200] =	vst v63  }
0x53: {  	s1 =	simm.s32 $0x8200  }
0x54: {  	[hbm4b:s5+s2] =	stream.indirect_vreg.scatter [tilespmem:s1], [sflag:$0x2], $0x80, v3, vm0, $0xb8;
	[tilespmem:$0x18200] =	vst v63  }
0x55: {  	s4 =	simm.s32 $0x8A00  }
0x56: {  	[hbm4b:s6+s2] =	stream.indirect_vreg.scatter [tilespmem:s4], [sflag:$0x2], $0x80, v3, vm0, $0xb8;
	[tilespmem:$0x18200] =	vst v63  }
0x57: {  	v3 =	vld [tilespmem:$0x30];
	_ =	sdelay $0x4  }
0x58: {  	v51 =	vshrl.u32 v3, $0x3  }
0x59: {  	v4 =	vmul.u32 $0x30, v51  }
0x5a: {  	v3 =	vand.u32 $0x7, v3  }
0x5b: {  	v3 =	vor.u32 v3, v4  }
0x5c: {  	v4 =	vperm.xlane v3, v0;
	_ =	sdelay $0x1  }
0x5d: {  	v4 =	vadd.s32 v1, v4;
	_ =	sdelay $0x3  }
0x5e: {  	s4 =	simm.s32 $0x9200;
	v3 =	vperm.xlane v3, v2  }
0x5f: {  	[hbm4b:s3+s2] =	stream.indirect_vreg.scatter [tilespmem:s4], [sflag:$0x2], $0x80, v4, vm0, $0xb8;
	[tilespmem:$0x18200] =	vst v63  }
0x60: {  	v3 =	vadd.s32 v1, v3  }
0x61: {  	[hbm4b:s5+s2] =	stream.indirect_vreg.scatter [tilespmem:s12], [sflag:$0x2], $0x80, v4, vm0, $0xb8;
	[tilespmem:$0x18200] =	vst v63  }
0x62: {  	_ = 	snop  }
0x63: {  	[hbm4b:s6+s2] =	stream.indirect_vreg.scatter [tilespmem:s13], [sflag:$0x2], $0x80, v4, vm0, $0xb8;
	[tilespmem:$0x18200] =	vst v63  }
0x64: {  	_ = 	snop  }
0x65: {  	[hbm4b:s3+s2] =	stream.indirect_vreg.scatter [tilespmem:s8], [sflag:$0x2], $0x80, v3, vm0, $0xb8;
	[tilespmem:$0x18200] =	vst v63  }
0x66: {  	_ = 	snop  }
0x67: {  	[hbm4b:s5+s2] =	stream.indirect_vreg.scatter [tilespmem:s9], [sflag:$0x2], $0x80, v3, vm0, $0xb8;
	[tilespmem:$0x18200] =	vst v63  }
0x68: {  	s15 =	simm.s32 $0xBA00  }
0x69: {  	[hbm4b:s6+s2] =	stream.indirect_vreg.scatter [tilespmem:s15], [sflag:$0x2], $0x80, v3, vm0, $0xb8;
	[tilespmem:$0x18200] =	vst v63  }
0x6a: {  	_ =	swait.ge [sflag:s11], $0xC000  }
0x6b: {  	[sflag:s11] =	ssyncset.done $0x0  }
0x6c: {  	[sflag:s11] =	ssyncadd.s32 $0xFFFF4000  }
0x6d: {  	v3 =	vld [tilespmem:$0x80];
	_ =	sdelay $0x4  }
0x6e: {  	v52 =	vshrl.u32 v3, $0x3  }
0x6f: {  	v4 =	vmul.u32 $0x30, v52  }
0x70: {  	v3 =	vand.u32 $0x7, v3  }
0x71: {  	v3 =	vor.u32 v3, v4  }
0x72: {  	v4 =	vperm.xlane v3, v0;
	_ =	sdelay $0x1  }
0x73: {  	v4 =	vadd.s32 v1, v4;
	_ =	sdelay $0x3  }
0x74: {  	v3 =	vperm.xlane v3, v2  }
0x75: {  	[hbm4b:s3+s2] =	stream.indirect_vreg.scatter [tilespmem:s0], [sflag:$0x2], $0x80, v4, vm0, $0xb8;
	[tilespmem:$0x18200] =	vst v63  }
0x76: {  	s15 =	simm.s32 $0xCA00;
	v3 =	vadd.s32 v1, v3  }
0x77: {  	[hbm4b:s5+s2] =	stream.indirect_vreg.scatter [tilespmem:s15], [sflag:$0x2], $0x80, v4, vm0, $0xb8;
	[tilespmem:$0x18200] =	vst v63  }
0x78: {  	s15 =	simm.s32 $0xD200  }
0x79: {  	[hbm4b:s6+s2] =	stream.indirect_vreg.scatter [tilespmem:s15], [sflag:$0x2], $0x80, v4, vm0, $0xb8;
	[tilespmem:$0x18200] =	vst v63  }
0x7a: {  	s15 =	simm.s32 $0xDA00  }
0x7b: {  	[hbm4b:s3+s2] =	stream.indirect_vreg.scatter [tilespmem:s15], [sflag:$0x2], $0x80, v3, vm0, $0xb8;
	[tilespmem:$0x18200] =	vst v63  }
0x7c: {  	s15 =	simm.s32 $0xE200  }
0x7d: {  	[hbm4b:s5+s2] =	stream.indirect_vreg.scatter [tilespmem:s15], [sflag:$0x2], $0x80, v3, vm0, $0xb8;
	[tilespmem:$0x18200] =	vst v63  }
0x7e: {  	s15 =	simm.s32 $0xEA00  }
0x7f: {  	[hbm4b:s6+s2] =	stream.indirect_vreg.scatter [tilespmem:s15], [sflag:$0x2], $0x80, v3, vm0, $0xb8;
	[tilespmem:$0x18200] =	vst v63  }
0x80: {  	v3 =	vld [tilespmem:$0x90];
	_ =	sdelay $0x4  }
0x81: {  	v53 =	vshrl.u32 v3, $0x3  }
0x82: {  	v4 =	vmul.u32 $0x30, v53  }
0x83: {  	v3 =	vand.u32 $0x7, v3  }
0x84: {  	v3 =	vor.u32 v3, v4  }
0x85: {  	v4 =	vperm.xlane v3, v0;
	_ =	sdelay $0x1  }
0x86: {  	v4 =	vadd.s32 v1, v4;
	_ =	sdelay $0x3  }
0x87: {  	s15 =	simm.s32 $0xF200;
	v3 =	vperm.xlane v3, v2  }
0x88: {  	[hbm4b:s3+s2] =	stream.indirect_vreg.scatter [tilespmem:s15], [sflag:$0x2], $0x80, v4, vm0, $0xb8;
	[tilespmem:$0x18200] =	vst v63  }
0x89: {  	v3 =	vadd.s32 v1, v3;
	s15 =	simm.s32 $0xFA00  }
0x8a: {  	[hbm4b:s5+s2] =	stream.indirect_vreg.scatter [tilespmem:s15], [sflag:$0x2], $0x80, v4, vm0, $0xb8;
	[tilespmem:$0x18200] =	vst v63  }
0x8b: {  	s15 =	simm.s32 $0x10200  }
0x8c: {  	[hbm4b:s6+s2] =	stream.indirect_vreg.scatter [tilespmem:s15], [sflag:$0x2], $0x80, v4, vm0, $0xb8;
	[tilespmem:$0x18200] =	vst v63  }
0x8d: {  	s15 =	simm.s32 $0x10A00  }
0x8e: {  	[hbm4b:s3+s2] =	stream.indirect_vreg.scatter [tilespmem:s15], [sflag:$0x2], $0x80, v3, vm0, $0xb8;
	[tilespmem:$0x18200] =	vst v63  }
0x8f: {  	s15 =	simm.s32 $0x11200  }
0x90: {  	[hbm4b:s5+s2] =	stream.indirect_vreg.scatter [tilespmem:s15], [sflag:$0x2], $0x80, v3, vm0, $0xb8;
	[tilespmem:$0x18200] =	vst v63  }
0x91: {  	s15 =	simm.s32 $0x11A00  }
0x92: {  	[hbm4b:s6+s2] =	stream.indirect_vreg.scatter [tilespmem:s15], [sflag:$0x2], $0x80, v3, vm0, $0xb8;
	[tilespmem:$0x18200] =	vst v63  }
0x93: {  	v3 =	vld [tilespmem:$0xA0];
	_ =	sdelay $0x4  }
0x94: {  	v54 =	vshrl.u32 v3, $0x3  }
0x95: {  	v4 =	vmul.u32 $0x30, v54  }
0x96: {  	v3 =	vand.u32 $0x7, v3  }
0x97: {  	v3 =	vor.u32 v3, v4  }
0x98: {  	v4 =	vperm.xlane v3, v0;
	_ =	sdelay $0x1  }
0x99: {  	v4 =	vadd.s32 v1, v4;
	_ =	sdelay $0x3  }
0x9a: {  	s15 =	simm.s32 $0x12200;
	v3 =	vperm.xlane v3, v2  }
0x9b: {  	[hbm4b:s3+s2] =	stream.indirect_vreg.scatter [tilespmem:s15], [sflag:$0x2], $0x80, v4, vm0, $0xb8;
	[tilespmem:$0x18200] =	vst v63  }
0x9c: {  	v3 =	vadd.s32 v1, v3;
	s15 =	simm.s32 $0x12A00  }
0x9d: {  	[hbm4b:s5+s2] =	stream.indirect_vreg.scatter [tilespmem:s15], [sflag:$0x2], $0x80, v4, vm0, $0xb8;
	[tilespmem:$0x18200] =	vst v63  }
0x9e: {  	s15 =	simm.s32 $0x13200  }
0x9f: {  	[hbm4b:s6+s2] =	stream.indirect_vreg.scatter [tilespmem:s15], [sflag:$0x2], $0x80, v4, vm0, $0xb8;
	[tilespmem:$0x18200] =	vst v63  }
0xa0: {  	s15 =	simm.s32 $0x13A00  }
0xa1: {  	[hbm4b:s3+s2] =	stream.indirect_vreg.scatter [tilespmem:s15], [sflag:$0x2], $0x80, v3, vm0, $0xb8;
	[tilespmem:$0x18200] =	vst v63  }
0xa2: {  	s15 =	simm.s32 $0x14200  }
0xa3: {  	[hbm4b:s5+s2] =	stream.indirect_vreg.scatter [tilespmem:s15], [sflag:$0x2], $0x80, v3, vm0, $0xb8;
	[tilespmem:$0x18200] =	vst v63  }
0xa4: {  	s15 =	simm.s32 $0x14A00  }
0xa5: {  	[hbm4b:s6+s2] =	stream.indirect_vreg.scatter [tilespmem:s15], [sflag:$0x2], $0x80, v3, vm0, $0xb8;
	[tilespmem:$0x18200] =	vst v63  }
0xa6: {  	v3 =	vld [tilespmem:$0xB0];
	_ =	sdelay $0x4  }
0xa7: {  	v55 =	vshrl.u32 v3, $0x3  }
0xa8: {  	v4 =	vmul.u32 $0x30, v55  }
0xa9: {  	v3 =	vand.u32 $0x7, v3  }
0xaa: {  	v3 =	vor.u32 v3, v4  }
0xab: {  	v4 =	vperm.xlane v3, v0;
	_ =	sdelay $0x1  }
0xac: {  	v4 =	vadd.s32 v1, v4;
	_ =	sdelay $0x3  }
0xad: {  	s15 =	simm.s32 $0x15200;
	v3 =	vperm.xlane v3, v2  }
0xae: {  	[hbm4b:s3+s2] =	stream.indirect_vreg.scatter [tilespmem:s15], [sflag:$0x2], $0x80, v4, vm0, $0xb8;
	[tilespmem:$0x18200] =	vst v63  }
0xaf: {  	v3 =	vadd.s32 v1, v3;
	s15 =	simm.s32 $0x15A00  }
0xb0: {  	[hbm4b:s5+s2] =	stream.indirect_vreg.scatter [tilespmem:s15], [sflag:$0x2], $0x80, v4, vm0, $0xb8;
	[tilespmem:$0x18200] =	vst v63  }
0xb1: {  	s15 =	simm.s32 $0x16200  }
0xb2: {  	[hbm4b:s6+s2] =	stream.indirect_vreg.scatter [tilespmem:s15], [sflag:$0x2], $0x80, v4, vm0, $0xb8;
	[tilespmem:$0x18200] =	vst v63  }
0xb3: {  	s15 =	simm.s32 $0x16A00  }
0xb4: {  	[hbm4b:s3+s2] =	stream.indirect_vreg.scatter [tilespmem:s15], [sflag:$0x2], $0x80, v3, vm0, $0xb8;
	[tilespmem:$0x18200] =	vst v63  }
0xb5: {  	s15 =	simm.s32 $0x17200  }
0xb6: {  	[hbm4b:s5+s2] =	stream.indirect_vreg.scatter [tilespmem:s15], [sflag:$0x2], $0x80, v3, vm0, $0xb8;
	[tilespmem:$0x18200] =	vst v63  }
0xb7: {  	s15 =	simm.s32 $0x17A00  }
0xb8: {  	[hbm4b:s6+s2] =	stream.indirect_vreg.scatter [tilespmem:s15], [sflag:$0x2], $0x80, v3, vm0, $0xb8;
	[tilespmem:$0x18200] =	vst v63  }
0xb9: {  	_ =	swait.ge [sflag:s14], $0xC000  }
0xba: {  	[sflag:s14] =	ssyncset.done $0x0  }
0xbb: {  	s15 =	rddreg [dreg:$0x5];
	[sflag:s14] =	ssyncadd.s32 $0xFFFF4000  }
0xbc: {  	[tilespmem:s10], [sflag:$0x1] =	stream.linear.gather [hbm4b:s15+s2], $0xC000, $0x38;
	[tilespmem:$0x18200] =	vst v63  }
0xbd: {  	_ =	swait.ge [sflag:s14], $0xC000  }
0xbe: {  	[sflag:s14] =	ssyncset.done $0x0  }
0xbf: {  	s15 =	rddreg [dreg:$0x6];
	[sflag:s14] =	ssyncadd.s32 $0xFFFF4000  }
0xc0: {  	[tilespmem:s0], [sflag:$0x1] =	stream.linear.gather [hbm4b:s15+s2], $0xC000, $0x38;
	[tilespmem:$0x18200] =	vst v63  }
0xc1: {  	_ =	swait.ge [sflag:s11], $0xC000  }
0xc2: {  	[sflag:s11] =	ssyncset.done $0x0  }
0xc3: {  	[sflag:s11] =	ssyncadd.s32 $0xFFFF4000  }
0xc4: {  	v3 =	vld [tilespmem:$0x100];
	_ =	sdelay $0x4  }
0xc5: {  	v56 =	vshrl.u32 v3, $0x3  }
0xc6: {  	v4 =	vmul.u32 $0x30, v56  }
0xc7: {  	v3 =	vand.u32 $0x7, v3  }
0xc8: {  	v3 =	vor.u32 v3, v4  }
0xc9: {  	v4 =	vperm.xlane v3, v0;
	_ =	sdelay $0x1  }
0xca: {  	v4 =	vadd.s32 v1, v4;
	_ =	sdelay $0x3  }
0xcb: {  	v3 =	vperm.xlane v3, v2  }
0xcc: {  	[hbm4b:s3+s2] =	stream.indirect_vreg.scatter [tilespmem:s10], [sflag:$0x2], $0x80, v4, vm0, $0xb8;
	[tilespmem:$0x18200] =	vst v63  }
0xcd: {  	v3 =	vadd.s32 v1, v3  }
0xce: {  	[hbm4b:s5+s2] =	stream.indirect_vreg.scatter [tilespmem:s16], [sflag:$0x2], $0x80, v4, vm0, $0xb8;
	[tilespmem:$0x18200] =	vst v63  }
0xcf: {  	_ = 	snop  }
0xd0: {  	[hbm4b:s6+s2] =	stream.indirect_vreg.scatter [tilespmem:s17], [sflag:$0x2], $0x80, v4, vm0, $0xb8;
	[tilespmem:$0x18200] =	vst v63  }
0xd1: {  	_ = 	snop  }
0xd2: {  	[hbm4b:s3+s2] =	stream.indirect_vreg.scatter [tilespmem:s18], [sflag:$0x2], $0x80, v3, vm0, $0xb8;
	[tilespmem:$0x18200] =	vst v63  }
0xd3: {  	_ = 	snop  }
0xd4: {  	[hbm4b:s5+s2] =	stream.indirect_vreg.scatter [tilespmem:s19], [sflag:$0x2], $0x80, v3, vm0, $0xb8;
	[tilespmem:$0x18200] =	vst v63  }
0xd5: {  	_ = 	snop  }
0xd6: {  	[hbm4b:s6+s2] =	stream.indirect_vreg.scatter [tilespmem:s20], [sflag:$0x2], $0x80, v3, vm0, $0xb8;
	[tilespmem:$0x18200] =	vst v63  }
0xd7: {  	v3 =	vld [tilespmem:$0x110];
	_ =	sdelay $0x4  }
0xd8: {  	v57 =	vshrl.u32 v3, $0x3  }
0xd9: {  	v4 =	vmul.u32 $0x30, v57  }
0xda: {  	v3 =	vand.u32 $0x7, v3  }
0xdb: {  	v3 =	vor.u32 v3, v4  }
0xdc: {  	v4 =	vperm.xlane v3, v0;
	_ =	sdelay $0x1  }
0xdd: {  	v4 =	vadd.s32 v1, v4;
	_ =	sdelay $0x3  }
0xde: {  	v3 =	vperm.xlane v3, v2  }
0xdf: {  	[hbm4b:s3+s2] =	stream.indirect_vreg.scatter [tilespmem:s21], [sflag:$0x2], $0x80, v4, vm0, $0xb8;
	[tilespmem:$0x18200] =	vst v63  }
0xe0: {  	v3 =	vadd.s32 v1, v3  }
0xe1: {  	[hbm4b:s5+s2] =	stream.indirect_vreg.scatter [tilespmem:s22], [sflag:$0x2], $0x80, v4, vm0, $0xb8;
	[tilespmem:$0x18200] =	vst v63  }
0xe2: {  	_ = 	snop  }
0xe3: {  	[hbm4b:s6+s2] =	stream.indirect_vreg.scatter [tilespmem:s23], [sflag:$0x2], $0x80, v4, vm0, $0xb8;
	[tilespmem:$0x18200] =	vst v63  }
0xe4: {  	_ = 	snop  }
0xe5: {  	[hbm4b:s3+s2] =	stream.indirect_vreg.scatter [tilespmem:s24], [sflag:$0x2], $0x80, v3, vm0, $0xb8;
	[tilespmem:$0x18200] =	vst v63  }
0xe6: {  	_ = 	snop  }
0xe7: {  	[hbm4b:s5+s2] =	stream.indirect_vreg.scatter [tilespmem:s25], [sflag:$0x2], $0x80, v3, vm0, $0xb8;
	[tilespmem:$0x18200] =	vst v63  }
0xe8: {  	_ = 	snop  }
0xe9: {  	[hbm4b:s6+s2] =	stream.indirect_vreg.scatter [tilespmem:s26], [sflag:$0x2], $0x80, v3, vm0, $0xb8;
	[tilespmem:$0x18200] =	vst v63  }
0xea: {  	v3 =	vld [tilespmem:$0x120];
	_ =	sdelay $0x4  }
0xeb: {  	v58 =	vshrl.u32 v3, $0x3  }
0xec: {  	v4 =	vmul.u32 $0x30, v58  }
0xed: {  	v3 =	vand.u32 $0x7, v3  }
0xee: {  	v3 =	vor.u32 v3, v4  }
0xef: {  	v4 =	vperm.xlane v3, v0;
	_ =	sdelay $0x1  }
0xf0: {  	v4 =	vadd.s32 v1, v4;
	_ =	sdelay $0x3  }
0xf1: {  	v3 =	vperm.xlane v3, v2  }
0xf2: {  	[hbm4b:s3+s2] =	stream.indirect_vreg.scatter [tilespmem:s28], [sflag:$0x2], $0x80, v4, vm0, $0xb8;
	[tilespmem:$0x18200] =	vst v63  }
0xf3: {  	v3 =	vadd.s32 v1, v3  }
0xf4: {  	[hbm4b:s5+s2] =	stream.indirect_vreg.scatter [tilespmem:s29], [sflag:$0x2], $0x80, v4, vm0, $0xb8;
	[tilespmem:$0x18200] =	vst v63  }
0xf5: {  	_ = 	snop  }
0xf6: {  	[hbm4b:s6+s2] =	stream.indirect_vreg.scatter [tilespmem:s30], [sflag:$0x2], $0x80, v4, vm0, $0xb8;
	[tilespmem:$0x18200] =	vst v63  }
0xf7: {  	_ = 	snop  }
0xf8: {  	[hbm4b:s3+s2] =	stream.indirect_vreg.scatter [tilespmem:s31], [sflag:$0x2], $0x80, v3, vm0, $0xb8;
	[tilespmem:$0x18200] =	vst v63  }
0xf9: {  	_ = 	snop  }
0xfa: {  	[hbm4b:s5+s2] =	stream.indirect_vreg.scatter [tilespmem:s1], [sflag:$0x2], $0x80, v3, vm0, $0xb8;
	[tilespmem:$0x18200] =	vst v63  }
0xfb: {  	s15 =	simm.s32 $0x8A00  }
0xfc: {  	[hbm4b:s6+s2] =	stream.indirect_vreg.scatter [tilespmem:s15], [sflag:$0x2], $0x80, v3, vm0, $0xb8;
	[tilespmem:$0x18200] =	vst v63  }
0xfd: {  	v3 =	vld [tilespmem:$0x130];
	_ =	sdelay $0x4  }
0xfe: {  	v59 =	vshrl.u32 v3, $0x3  }
0xff: {  	v4 =	vmul.u32 $0x30, v59  }
0x100: {  	v3 =	vand.u32 $0x7, v3  }
0x101: {  	v3 =	vor.u32 v3, v4  }
0x102: {  	v4 =	vperm.xlane v3, v0;
	_ =	sdelay $0x1  }
0x103: {  	v4 =	vadd.s32 v1, v4;
	_ =	sdelay $0x3  }
0x104: {  	v3 =	vperm.xlane v3, v2  }
0x105: {  	[hbm4b:s3+s2] =	stream.indirect_vreg.scatter [tilespmem:s4], [sflag:$0x2], $0x80, v4, vm0, $0xb8;
	[tilespmem:$0x18200] =	vst v63  }
0x106: {  	v3 =	vadd.s32 v1, v3  }
0x107: {  	[hbm4b:s5+s2] =	stream.indirect_vreg.scatter [tilespmem:s12], [sflag:$0x2], $0x80, v4, vm0, $0xb8;
	[tilespmem:$0x18200] =	vst v63  }
0x108: {  	_ = 	snop  }
0x109: {  	[hbm4b:s6+s2] =	stream.indirect_vreg.scatter [tilespmem:s13], [sflag:$0x2], $0x80, v4, vm0, $0xb8;
	[tilespmem:$0x18200] =	vst v63  }
0x10a: {  	_ = 	snop  }
0x10b: {  	[hbm4b:s3+s2] =	stream.indirect_vreg.scatter [tilespmem:s8], [sflag:$0x2], $0x80, v3, vm0, $0xb8;
	[tilespmem:$0x18200] =	vst v63  }
0x10c: {  	_ = 	snop  }
0x10d: {  	[hbm4b:s5+s2] =	stream.indirect_vreg.scatter [tilespmem:s9], [sflag:$0x2], $0x80, v3, vm0, $0xb8;
	[tilespmem:$0x18200] =	vst v63  }
0x10e: {  	s16 =	simm.s32 $0xBA00  }
0x10f: {  	[hbm4b:s6+s2] =	stream.indirect_vreg.scatter [tilespmem:s16], [sflag:$0x2], $0x80, v3, vm0, $0xb8;
	[tilespmem:$0x18200] =	vst v63  }
0x110: {  	_ =	swait.ge [sflag:s11], $0xC000  }
0x111: {  	[sflag:s11] =	ssyncset.done $0x0  }
0x112: {  	[sflag:s11] =	ssyncadd.s32 $0xFFFF4000  }
0x113: {  	v3 =	vld [tilespmem:$0x180];
	_ =	sdelay $0x4  }
0x114: {  	v60 =	vshrl.u32 v3, $0x3  }
0x115: {  	v4 =	vmul.u32 $0x30, v60  }
0x116: {  	v3 =	vand.u32 $0x7, v3  }
0x117: {  	v3 =	vor.u32 v3, v4  }
0x118: {  	v4 =	vperm.xlane v3, v0;
	_ =	sdelay $0x1  }
0x119: {  	v4 =	vadd.s32 v1, v4;
	_ =	sdelay $0x3  }
0x11a: {  	v3 =	vperm.xlane v3, v2  }
0x11b: {  	[hbm4b:s3+s2] =	stream.indirect_vreg.scatter [tilespmem:s0], [sflag:$0x2], $0x80, v4, vm0, $0xb8;
	[tilespmem:$0x18200] =	vst v63  }
0x11c: {  	s4 =	simm.s32 $0xCA00;
	v3 =	vadd.s32 v1, v3  }
0x11d: {  	[hbm4b:s5+s2] =	stream.indirect_vreg.scatter [tilespmem:s4], [sflag:$0x2], $0x80, v4, vm0, $0xb8;
	[tilespmem:$0x18200] =	vst v63  }
0x11e: {  	s15 =	simm.s32 $0xD200  }
0x11f: {  	[hbm4b:s6+s2] =	stream.indirect_vreg.scatter [tilespmem:s15], [sflag:$0x2], $0x80, v4, vm0, $0xb8;
	[tilespmem:$0x18200] =	vst v63  }
0x120: {  	s16 =	simm.s32 $0xDA00  }
0x121: {  	[hbm4b:s3+s2] =	stream.indirect_vreg.scatter [tilespmem:s16], [sflag:$0x2], $0x80, v3, vm0, $0xb8;
	[tilespmem:$0x18200] =	vst v63  }
0x122: {  	s1 =	simm.s32 $0xE200  }
0x123: {  	[hbm4b:s5+s2] =	stream.indirect_vreg.scatter [tilespmem:s1], [sflag:$0x2], $0x80, v3, vm0, $0xb8;
	[tilespmem:$0x18200] =	vst v63  }
0x124: {  	s4 =	simm.s32 $0xEA00  }
0x125: {  	[hbm4b:s6+s2] =	stream.indirect_vreg.scatter [tilespmem:s4], [sflag:$0x2], $0x80, v3, vm0, $0xb8;
	[tilespmem:$0x18200] =	vst v63  }
0x126: {  	v3 =	vld [tilespmem:$0x190];
	_ =	sdelay $0x4  }
0x127: {  	v61 =	vshrl.u32 v3, $0x3  }
0x128: {  	v4 =	vmul.u32 $0x30, v61  }
0x129: {  	v3 =	vand.u32 $0x7, v3  }
0x12a: {  	v3 =	vor.u32 v3, v4  }
0x12b: {  	v4 =	vperm.xlane v3, v0;
	_ =	sdelay $0x1  }
0x12c: {  	v4 =	vadd.s32 v1, v4;
	_ =	sdelay $0x3  }
0x12d: {  	s15 =	simm.s32 $0xF200;
	v3 =	vperm.xlane v3, v2  }
0x12e: {  	[hbm4b:s3+s2] =	stream.indirect_vreg.scatter [tilespmem:s15], [sflag:$0x2], $0x80, v4, vm0, $0xb8;
	[tilespmem:$0x18200] =	vst v63  }
0x12f: {  	s16 =	simm.s32 $0xFA00;
	v3 =	vadd.s32 v1, v3  }
0x130: {  	[hbm4b:s5+s2] =	stream.indirect_vreg.scatter [tilespmem:s16], [sflag:$0x2], $0x80, v4, vm0, $0xb8;
	[tilespmem:$0x18200] =	vst v63  }
0x131: {  	s1 =	simm.s32 $0x10200  }
0x132: {  	[hbm4b:s6+s2] =	stream.indirect_vreg.scatter [tilespmem:s1], [sflag:$0x2], $0x80, v4, vm0, $0xb8;
	[tilespmem:$0x18200] =	vst v63  }
0x133: {  	s4 =	simm.s32 $0x10A00  }
0x134: {  	[hbm4b:s3+s2] =	stream.indirect_vreg.scatter [tilespmem:s4], [sflag:$0x2], $0x80, v3, vm0, $0xb8;
	[tilespmem:$0x18200] =	vst v63  }
0x135: {  	s15 =	simm.s32 $0x11200  }
0x136: {  	[hbm4b:s5+s2] =	stream.indirect_vreg.scatter [tilespmem:s15], [sflag:$0x2], $0x80, v3, vm0, $0xb8;
	[tilespmem:$0x18200] =	vst v63  }
0x137: {  	s16 =	simm.s32 $0x11A00  }
0x138: {  	[hbm4b:s6+s2] =	stream.indirect_vreg.scatter [tilespmem:s16], [sflag:$0x2], $0x80, v3, vm0, $0xb8;
	[tilespmem:$0x18200] =	vst v63  }
0x139: {  	v3 =	vld [tilespmem:$0x1A0];
	_ =	sdelay $0x4  }
0x13a: {  	v62 =	vshrl.u32 v3, $0x3  }
0x13b: {  	v4 =	vmul.u32 $0x30, v62  }
0x13c: {  	v3 =	vand.u32 $0x7, v3  }
0x13d: {  	v3 =	vor.u32 v3, v4  }
0x13e: {  	v4 =	vperm.xlane v3, v0;
	_ =	sdelay $0x1  }
0x13f: {  	v4 =	vadd.s32 v1, v4;
	_ =	sdelay $0x3  }
0x140: {  	s1 =	simm.s32 $0x12200;
	v3 =	vperm.xlane v3, v2  }
0x141: {  	[hbm4b:s3+s2] =	stream.indirect_vreg.scatter [tilespmem:s1], [sflag:$0x2], $0x80, v4, vm0, $0xb8;
	[tilespmem:$0x18200] =	vst v63  }
0x142: {  	s4 =	simm.s32 $0x12A00;
	v3 =	vadd.s32 v1, v3  }
0x143: {  	[hbm4b:s5+s2] =	stream.indirect_vreg.scatter [tilespmem:s4], [sflag:$0x2], $0x80, v4, vm0, $0xb8;
	[tilespmem:$0x18200] =	vst v63  }
0x144: {  	s15 =	simm.s32 $0x13200  }
0x145: {  	[hbm4b:s6+s2] =	stream.indirect_vreg.scatter [tilespmem:s15], [sflag:$0x2], $0x80, v4, vm0, $0xb8;
	[tilespmem:$0x18200] =	vst v63  }
0x146: {  	s16 =	simm.s32 $0x13A00  }
0x147: {  	[hbm4b:s3+s2] =	stream.indirect_vreg.scatter [tilespmem:s16], [sflag:$0x2], $0x80, v3, vm0, $0xb8;
	[tilespmem:$0x18200] =	vst v63  }
0x148: {  	s1 =	simm.s32 $0x14200  }
0x149: {  	[hbm4b:s5+s2] =	stream.indirect_vreg.scatter [tilespmem:s1], [sflag:$0x2], $0x80, v3, vm0, $0xb8;
	[tilespmem:$0x18200] =	vst v63  }
0x14a: {  	s4 =	simm.s32 $0x14A00  }
0x14b: {  	[hbm4b:s6+s2] =	stream.indirect_vreg.scatter [tilespmem:s4], [sflag:$0x2], $0x80, v3, vm0, $0xb8;
	[tilespmem:$0x18200] =	vst v63  }
0x14c: {  	v3 =	vld [tilespmem:$0x1B0];
	_ =	sdelay $0x4  }
0x14d: {  	v63 =	vshrl.u32 v3, $0x3  }
0x14e: {  	v4 =	vmul.u32 $0x30, v63  }
0x14f: {  	v3 =	vand.u32 $0x7, v3  }
0x150: {  	v3 =	vor.u32 v3, v4  }
0x151: {  	v4 =	vperm.xlane v3, v0;
	_ =	sdelay $0x1  }
0x152: {  	v4 =	vadd.s32 v1, v4;
	_ =	sdelay $0x3  }
0x153: {  	s15 =	simm.s32 $0x15200;
	v3 =	vperm.xlane v3, v2  }
0x154: {  	[hbm4b:s3+s2] =	stream.indirect_vreg.scatter [tilespmem:s15], [sflag:$0x2], $0x80, v4, vm0, $0xb8;
	[tilespmem:$0x18200] =	vst v63  }
0x155: {  	s16 =	simm.s32 $0x15A00;
	v3 =	vadd.s32 v1, v3  }
0x156: {  	[hbm4b:s5+s2] =	stream.indirect_vreg.scatter [tilespmem:s16], [sflag:$0x2], $0x80, v4, vm0, $0xb8;
	[tilespmem:$0x18200] =	vst v63  }
0x157: {  	s1 =	simm.s32 $0x16200  }
0x158: {  	[hbm4b:s6+s2] =	stream.indirect_vreg.scatter [tilespmem:s1], [sflag:$0x2], $0x80, v4, vm0, $0xb8;
	[tilespmem:$0x18200] =	vst v63  }
0x159: {  	s4 =	simm.s32 $0x16A00  }
0x15a: {  	[hbm4b:s3+s2] =	stream.indirect_vreg.scatter [tilespmem:s4], [sflag:$0x2], $0x80, v3, vm0, $0xb8;
	[tilespmem:$0x18200] =	vst v63  }
0x15b: {  	s15 =	simm.s32 $0x17200  }
0x15c: {  	[hbm4b:s5+s2] =	stream.indirect_vreg.scatter [tilespmem:s15], [sflag:$0x2], $0x80, v3, vm0, $0xb8;
	[tilespmem:$0x18200] =	vst v63  }
0x15d: {  	s16 =	simm.s32 $0x17A00  }
0x15e: {  	[hbm4b:s6+s2] =	stream.indirect_vreg.scatter [tilespmem:s16], [sflag:$0x2], $0x80, v3, vm0, $0xb8;
	[tilespmem:$0x18200] =	vst v63  }
0x15f: {  	p0 =	sne.s32 s7, $0x1;
	_ =	swait.ge [sflag:s14], $0xC000  }
.Ltmp0:
0x160: {  	[sflag:s14] =	ssyncset.done $0x0;
	(pc) =	sbr.rel @p0 .LBB2_1-.Ltmp0, $4  }
0x161: {  	[sflag:s14] =	ssyncadd.s32 $0xFFFF4000  }
0x162: {  	_ =	swait.ge [sflag:s14], $0xC000  }
0x163: {  	[sflag:s14] =	ssyncset.done $0x0  }
0x164: {  	s7 =	sadd.s32 $0xFFFFFFFF, s7;
	[sflag:s14] =	ssyncadd.s32 $0xFFFF4000  }
0x165: {  	_ =	sfence.sel $0x180000  }
0x166: {  	[bflag:$0x0] =	sbarrier.arrive $0xFFFF  }
0x167: {  	_ =	strace $0x90000047  }
0x168: {  	s0 =	stileid.u32;
	[bflag:$0x2] =	sbarrier.arrive $0xFFFF  }
0x169: {  	p0 =	sne.s32 s0, $0x0;
	s0 =	rddreg [dreg:$0x2]  }
0x16a: {  	s0 =	sadd.s32 @!p0 $0x100000, s0  }
0x16b: {  	[sflag:s0] =	ssyncadd.tile.s32 @!p0 $0x1;
	_ =	shalt  }
.Lfunc_end2:
_tile_overlayer_lowered:
.L_overlay_start_2:
0x16c: {  	(tag) =	ssettag $0x2  }
0x16d: {  	s0 =	rddreg [dreg:$0x0];
	s2 =	stileid.u32  }
0x16e: {  	s1 =	rddreg [dreg:$0x1];
	p0 =	sne.s32 s2, $0x0  }
0x16f: {  	s3 =	rddreg [dreg:$0x2];
	[bflag:$0x3] =	sbarrier.arrive $0xFFFF;
	s2 =	simm.s32 @!p0 $0x1C03  }
0x170: {  	[timem:s3], [sflag:s2] =	dma.local @!p0 [hbm:s0], s1  }
0x171: {  	s0 =	simm.s32 @!p0 $0x3  }
0x172: {  	_ =	swait.ge @!p0 [sflag:s0], s1  }
0x173: {  	s1 =	ssub.s32 @!p0 $0x0, s1;
	[sflag:s0] =	ssyncset.done @!p0 $0x0  }
0x174: {  	[sflag:s0] =	ssyncadd.s32 @!p0 s1  }
0x175: {  	[bflag:$0x3] =	sbarrier.arrive $0xFFFF  }
0x176: {  	_ =	shalt  }

</sc_bundles>
